<compile_context>
chip_gen: v7x
topology: tpu7x:2x2x1
jax: 0.10.2.dev20260603
libtpu: 0.0.44.dev20260713+nightly
codegen_flags: <defaults>
</compile_context>

<pallas_src>
import functools

import jax
import jax.numpy as jnp
from jax import lax
from jax.experimental import pallas as pl
from jax.experimental.pallas import tpu as pltpu
from jax.experimental.pallas import tpu_sc as plsc

N = 20000
THRESH = 0.5
MAX_PROPOSALS = 1000
B = 256
NP = 20224
NBLK = NP // B
OUTC = 1024

_ROWDOT = functools.partial(
    lax.dot_general,
    dimension_numbers=(((1,), (0,)), ((), ())),
    precision=lax.Precision.DEFAULT,
    preferred_element_type=jnp.float32,
)
_TRDOT = functools.partial(
    lax.dot_general,
    dimension_numbers=(((1,), (1,)), ((), ())),
    precision=lax.Precision.HIGHEST,
    preferred_element_type=jnp.float32,
)
_DOT_HI = functools.partial(
    lax.dot_general,
    dimension_numbers=(((1,), (0,)), ((), ())),
    precision=lax.Precision.HIGHEST,
    preferred_element_type=jnp.float32,
)


def _make_nms_kernel(nblk):
  def _nms_kernel(bT_ref, outT_ref, alive_ref, colsC_ref):
    f32 = jnp.float32
    outT_ref[...] = jnp.zeros((8, OUTC), f32)

    row_i = lax.broadcasted_iota(jnp.int32, (B, B), 0)
    col_i = lax.broadcasted_iota(jnp.int32, (B, B), 1)
    eye = (row_i == col_i).astype(f32)
    usup_strict = (row_i < col_i).astype(f32)
    utri_incl = (row_i <= col_i).astype(f32)
    out_iota = lax.broadcasted_iota(jnp.int32, (B, OUTC), 1)

    def tr(v):
        return _TRDOT(eye, v)

    def iou_tile(ci, rj):
        x1r = colsC_ref[pl.ds(rj * B, B), 0:1]
        y1r = colsC_ref[pl.ds(rj * B, B), 1:2]
        x2r = colsC_ref[pl.ds(rj * B, B), 2:3]
        y2r = colsC_ref[pl.ds(rj * B, B), 3:4]
        x1c = bT_ref[0:1, pl.ds(ci * B, B)]
        y1c = bT_ref[1:2, pl.ds(ci * B, B)]
        x2c = bT_ref[2:3, pl.ds(ci * B, B)]
        y2c = bT_ref[3:4, pl.ds(ci * B, B)]
        arear = (x2r - x1r) * (y2r - y1r)
        areac = (x2c - x1c) * (y2c - y1c)
        w = jnp.maximum(jnp.minimum(x2c, x2r) - jnp.maximum(x1c, x1r), 0.0)
        h = jnp.maximum(jnp.minimum(y2c, y2r) - jnp.maximum(y1c, y1r), 0.0)
        inter = w * h
        return inter / (areac + arear - inter + 1e-9)

    def cond(state):
        i, count = state
        return jnp.logical_and(i < nblk, count < MAX_PROPOSALS)

    def body(state):
        i, count = state

        colsC_ref[pl.ds(i * B, B), 0:1] = tr(bT_ref[0:1, pl.ds(i * B, B)])
        colsC_ref[pl.ds(i * B, B), 1:2] = tr(bT_ref[1:2, pl.ds(i * B, B)])
        colsC_ref[pl.ds(i * B, B), 2:3] = tr(bT_ref[2:3, pl.ds(i * B, B)])
        colsC_ref[pl.ds(i * B, B), 3:4] = tr(bT_ref[3:4, pl.ds(i * B, B)])

        def jbody(j, supp):
            m = (iou_tile(i, j) > THRESH).astype(f32)
            aj = alive_ref[0:1, pl.ds(j * B, B)]
            return jnp.maximum(supp, _ROWDOT(aj, m))

        supp = lax.fori_loop(0, i, jbody, jnp.zeros((1, B), f32))
        real = bT_ref[5:6, pl.ds(i * B, B)]
        elig = jnp.logical_and(real > 0.5, supp < 0.5)

        m_self = (iou_tile(i, i) > THRESH).astype(f32) * usup_strict

        def fcond(c):
            return c[1]

        def fbody(c):
            a, _ = c
            s = _ROWDOT(a, m_self)
            anew = jnp.where(jnp.logical_and(elig, s < 0.5), 1.0, 0.0)
            return anew, jnp.any(anew != a)

        a0 = elig.astype(f32)
        aliv, _ = lax.while_loop(fcond, fbody, (a0, jnp.bool_(True)))
        alive_ref[0:1, pl.ds(i * B, B)] = aliv

        ranks = _ROWDOT(aliv, utri_incl) - 1.0 + count.astype(f32)
        rankmask = jnp.where(aliv > 0.5, ranks, -1.0)
        rk = tr(rankmask).astype(jnp.int32)
        sel = (out_iota == rk).astype(f32)
        dataT = bT_ref[:, pl.ds(i * B, B)]
        outT_ref[...] += _DOT_HI(dataT, sel)
        return i + 1, count + jnp.sum(aliv).astype(jnp.int32)

    _, fcount = lax.while_loop(cond, body, (jnp.int32(0), jnp.int32(0)))
    outT_ref[7:8, :] = jnp.full((1, OUTC), fcount.astype(f32))

  return _nms_kernel


def _run_nms(rows, np_):
    outT = pl.pallas_call(
        _make_nms_kernel(np_ // B),
        out_shape=jax.ShapeDtypeStruct((8, OUTC), jnp.float32),
        scratch_shapes=[pltpu.VMEM((1, np_), jnp.float32),
                        pltpu.VMEM((np_, 4), jnp.float32)],
    )(rows)
    return outT[:5, :MAX_PROPOSALS].T, outT[7, 0]


K_FAST = 2048

_SC_D = 128
_SC_NC, _SC_NS = 2, 16
_SC_NW = _SC_NC * _SC_NS
_SC_BPW = K_FAST // _SC_NW


def _sc_gather_rows(table, idx):
    mesh = plsc.VectorSubcoreMesh(core_axis_name="c", subcore_axis_name="s")

    @functools.partial(
        pl.kernel, mesh=mesh,
        out_type=jax.ShapeDtypeStruct((K_FAST, _SC_D), jnp.float32),
        scratch_types=[
            pltpu.VMEM((_SC_BPW,), jnp.int32),
            pltpu.VMEM((_SC_BPW, _SC_D), jnp.float32),
            pltpu.SemaphoreType.DMA,
        ],
    )
    def gk(table_hbm, idx_hbm, out_hbm, idx_v, rows_v, sem):
        wid = lax.axis_index("s") * _SC_NC + lax.axis_index("c")
        base = wid * _SC_BPW
        pltpu.sync_copy(idx_hbm.at[pl.ds(base, _SC_BPW)], idx_v)
        pltpu.async_copy(table_hbm.at[idx_v], rows_v, sem).wait()
        pltpu.sync_copy(rows_v, out_hbm.at[pl.ds(base, _SC_BPW)])

    return gk(table, idx)


def kernel(boxes, scores):
    v, idx = lax.top_k(scores, K_FAST)
    table = jnp.pad(boxes, ((0, 0), (0, _SC_D - 4)))
    bsel = _sc_gather_rows(table, idx)
    ones_k = jnp.ones((1, K_FAST), jnp.float32)
    rows_fast = jnp.concatenate(
        [bsel[:, 0][None, :], bsel[:, 1][None, :],
         bsel[:, 2][None, :], bsel[:, 3][None, :],
         v[None, :], ones_k, 0.0 * ones_k, 0.0 * ones_k], axis=0)
    out_fast, cnt = _run_nms(rows_fast, K_FAST)

    def fast_fn(_):
        return out_fast

    def full_fn(_):
        neg = -scores
        _, sx1, sy1, sx2, sy2, scores_s = lax.sort(
            (neg, boxes[:, 0], boxes[:, 1], boxes[:, 2], boxes[:, 3],
             scores), num_keys=1, is_stable=True)
        pad = NP - N

        def row(vv, fill):
            return jnp.concatenate(
                [vv, jnp.full((pad,), fill, jnp.float32)])[None, :]

        zero = jnp.zeros((1, NP), jnp.float32)
        rows = jnp.concatenate(
            [row(sx1, -1e6), row(sy1, -1e6), row(sx2, -1e6),
             row(sy2, -1e6), row(scores_s, -3e38),
             row(jnp.ones((N,), jnp.float32), 0.0), zero, zero], axis=0)
        out_full, _ = _run_nms(rows, NP)
        return out_full

    return lax.cond(cnt >= MAX_PROPOSALS, fast_fn, full_fn, None)

# --- scband reference (transcript-rebuilt; emitter-appended) ---
"""Pipeline reference for scband-box-list-nms-49658411876611 (READ-ONLY COPY).

The authoritative reference and input builder live on the scoring server;
editing this copy changes nothing except your own understanding.
"""

import jax, jax.numpy as jnp
import numpy as np

N = 20000
THRESH = 0.5
MAX_PROPOSALS = 1000


def setup_inputs(seed: int = 0) -> dict:
    key = jax.random.key(seed)
    k1, k2, k3 = jax.random.split(key, 3)
    xy = jax.random.uniform(k1, (N, 2), dtype=jnp.float32) * 1000.0
    wh = jax.random.uniform(k2, (N, 2), dtype=jnp.float32) * 64.0 + 1.0
    boxes = jnp.concatenate([xy, xy + wh], axis=1).astype(jnp.float32)
    scores = jax.random.uniform(k3, (N,), dtype=jnp.float32)
    return {"boxes": boxes, "scores": scores}


def _nms_keep(boxes, thresh):
    # boxes are already sorted by score descending; greedy NMS keep mask.
    n = boxes.shape[0]
    x1, y1, x2, y2 = boxes[:, 0], boxes[:, 1], boxes[:, 2], boxes[:, 3]
    areas = (x2 - x1) * (y2 - y1)
    idxs = jnp.arange(n)

    def body(i, keep):
        xx1 = jnp.maximum(x1[i], x1)
        yy1 = jnp.maximum(y1[i], y1)
        xx2 = jnp.minimum(x2[i], x2)
        yy2 = jnp.minimum(y2[i], y2)
        w = jnp.maximum(xx2 - xx1, 0.0)
        h = jnp.maximum(yy2 - yy1, 0.0)
        inter = w * h
        iou = inter / (areas[i] + areas - inter + 1e-9)
        suppress = (iou > thresh) & (idxs > i) & keep[i]
        return keep & (~suppress)

    return jax.lax.fori_loop(0, n, body, jnp.ones((n,), dtype=bool))


def reference(boxes, scores):
    # boxlist_nms: sort by score field desc, greedy IoU suppression at thresh,
    # then truncate to max_proposals (xyxy mode, no convert back).
    order = jnp.argsort(-scores)
    boxes_s = boxes[order]
    scores_s = scores[order]
    keep = _nms_keep(jax.lax.stop_gradient(boxes_s), THRESH)
    masked = jnp.where(keep, scores_s, -jnp.inf)
    _, idx = jax.lax.top_k(masked, MAX_PROPOSALS)
    valid = keep[idx]
    out_boxes = boxes_s[idx]
    out_scores = scores_s[idx]
    out = jnp.concatenate([out_boxes, out_scores[:, None]], axis=1)
    out = jnp.where(valid[:, None], out, 0.0)
    return out

if __name__ == "__main__":
    import jax
    _d = setup_inputs()
    print(jax.jit(kernel)(*tuple(_d.values())))

</pallas_src>

<mosaic_0001>
#map = affine_map<(d0, d1) -> (0, 0)>
#map1 = affine_map<(d0, d1) -> (0)>
module attributes {stable_mosaic.version = 14 : i64} {
  func.func @gk(%arg0: i32, %arg1: i32, %arg2: memref<20000x128xf32, #tpu.memory_space<hbm>>, %arg3: memref<2048xi32, #tpu.memory_space<hbm>>, %arg4: memref<2048x128xf32, #tpu.memory_space<hbm>>, %arg5: memref<64xi32, #tpu.memory_space<vmem>>, %arg6: memref<64x128xf32, #tpu.memory_space<vmem>>, %arg7: memref<!tpu.dma_semaphore, #tpu.memory_space<semaphore_mem>>) attributes {dimension_semantics = [#tpu.dimension_semantics<core_parallel>, #tpu.dimension_semantics<subcore_parallel>], iteration_bounds = array<i64: 2, 16>, scalar_prefetch = 0 : i64, scratch_operands = 3 : i64, tpu.core_type = #tpu.core_type<sc_vector_subcore>, window_params = [{transform_indices = #map}, {transform_indices = #map1}, {transform_indices = #map}]} {
    %mul3A = arith.constant 2 : i32
    %mul3A_0 = arith.muli %arg1, %mul3A : i32
    %add3A = arith.addi %mul3A_0, %arg0 : i32
    %mul3A_1 = arith.constant 64 : i32
    %mul3A_2 = arith.muli %add3A, %mul3A_1 : i32
    "tpu.region"() ({
      %run_scoped3A = tpu.sem_alloc : memref<!tpu.dma_semaphore, #tpu.memory_space<semaphore_mem>>
      %dma_start3A_7 = tpu.memref_slice %arg3[%mul3A_2] : memref<2048xi32, #tpu.memory_space<hbm>> -> memref<64xi32, #tpu.memory_space<hbm>>
      %dma_start3A_8 = tpu.memref_slice %arg3[%mul3A_2] : memref<2048xi32, #tpu.memory_space<hbm>> -> memref<64xi32, #tpu.memory_space<hbm>>
      tpu.enqueue_dma source(%dma_start3A_8 : memref<64xi32, #tpu.memory_space<hbm>>) target(%arg5 : memref<64xi32, #tpu.memory_space<vmem>>) target_semaphore(%run_scoped3A : memref<!tpu.dma_semaphore, #tpu.memory_space<semaphore_mem>>)
      %dma_wait3A_9 = tpu.memref_slice %arg3[%mul3A_2] : memref<2048xi32, #tpu.memory_space<hbm>> -> memref<64xi32, #tpu.memory_space<hbm>>
      %dma_wait3A_10 = tpu.memref_slice %arg3[%mul3A_2] : memref<2048xi32, #tpu.memory_space<hbm>> -> memref<64xi32, #tpu.memory_space<hbm>>
      tpu.wait_dma2 semaphore(%run_scoped3A : memref<!tpu.dma_semaphore, #tpu.memory_space<semaphore_mem>>) src(%dma_wait3A_10 : memref<64xi32, #tpu.memory_space<hbm>>) dst(%arg5 : memref<64xi32, #tpu.memory_space<vmem>>)
      tpu.yield
    }) : () -> ()
    %dma_start3A = arith.constant 0 : i32
    %dma_start3A_3 = arith.constant 0 : i32
    %dma_start3A_4 = tpu.memref_slice %arg2[%dma_start3A, %dma_start3A_3] : memref<20000x128xf32, #tpu.memory_space<hbm>> -> memref<20000x128xf32, #tpu.memory_space<hbm>>
    tpu.enqueue_indirect_dma source(%dma_start3A_4 : memref<20000x128xf32, #tpu.memory_space<hbm>>) target(%arg6 : memref<64x128xf32, #tpu.memory_space<vmem>>) offsets(%arg5 : memref<64xi32, #tpu.memory_space<vmem>>) semaphore(%arg7 : memref<!tpu.dma_semaphore, #tpu.memory_space<semaphore_mem>>)
    %dma_wait3A = arith.constant 0 : i32
    %dma_wait3A_5 = arith.constant 0 : i32
    %dma_wait3A_6 = tpu.memref_slice %arg2[%dma_wait3A, %dma_wait3A_5] : memref<20000x128xf32, #tpu.memory_space<hbm>> -> memref<20000x128xf32, #tpu.memory_space<hbm>>
    tpu.wait_indirect_dma semaphore(%arg7 : memref<!tpu.dma_semaphore, #tpu.memory_space<semaphore_mem>>) src(%dma_wait3A_6 : memref<20000x128xf32, #tpu.memory_space<hbm>>) dst(%arg6 : memref<64x128xf32, #tpu.memory_space<vmem>>)
    "tpu.region"() ({
      %run_scoped3A = tpu.sem_alloc : memref<!tpu.dma_semaphore, #tpu.memory_space<semaphore_mem>>
      %dma_start3A_7 = arith.constant 0 : i32
      %dma_start3A_8 = tpu.memref_slice %arg4[%mul3A_2, %dma_start3A_7] : memref<2048x128xf32, #tpu.memory_space<hbm>> -> memref<64x128xf32, #tpu.memory_space<hbm>>
      %dma_start3A_9 = arith.constant 0 : i32
      %dma_start3A_10 = tpu.memref_slice %arg4[%mul3A_2, %dma_start3A_9] : memref<2048x128xf32, #tpu.memory_space<hbm>> -> memref<64x128xf32, #tpu.memory_space<hbm>>
      tpu.enqueue_dma source(%arg6 : memref<64x128xf32, #tpu.memory_space<vmem>>) target(%dma_start3A_10 : memref<64x128xf32, #tpu.memory_space<hbm>>) target_semaphore(%run_scoped3A : memref<!tpu.dma_semaphore, #tpu.memory_space<semaphore_mem>>)
      %dma_wait3A_11 = arith.constant 0 : i32
      %dma_wait3A_12 = tpu.memref_slice %arg4[%mul3A_2, %dma_wait3A_11] : memref<2048x128xf32, #tpu.memory_space<hbm>> -> memref<64x128xf32, #tpu.memory_space<hbm>>
      %dma_wait3A_13 = arith.constant 0 : i32
      %dma_wait3A_14 = tpu.memref_slice %arg4[%mul3A_2, %dma_wait3A_13] : memref<2048x128xf32, #tpu.memory_space<hbm>> -> memref<64x128xf32, #tpu.memory_space<hbm>>
      tpu.wait_dma2 semaphore(%run_scoped3A : memref<!tpu.dma_semaphore, #tpu.memory_space<semaphore_mem>>) src(%arg6 : memref<64x128xf32, #tpu.memory_space<vmem>>) dst(%dma_wait3A_14 : memref<64x128xf32, #tpu.memory_space<hbm>>)
      tpu.yield
    }) : () -> ()
    return
  }
}

module attributes {stable_mosaic.version = 14 : i64} {
  func.func @_nms_kernel(%arg0: memref<8x2048xf32, #tpu.memory_space<vmem>>, %arg1: memref<8x1024xf32, #tpu.memory_space<vmem>>, %arg2: memref<1x2048xf32, #tpu.memory_space<vmem>>, %arg3: memref<2048x4xf32, #tpu.memory_space<vmem>>) attributes {dimension_semantics = [], scalar_prefetch = 0 : i64, scratch_operands = 2 : i64, tpu.core_type = #tpu.core_type<tc>} {
    %broadcast_in_dim3A = arith.constant 0.000000e+00 : f32
    %broadcast_in_dim3A_0 = vector.broadcast %broadcast_in_dim3A : f32 to vector<8x1024xf32>
    %swap3A = arith.constant 0 : index
    %swap3A_1 = arith.constant 0 : index
    %swap3A_2 = vector.load %arg1[%swap3A, %swap3A_1] : memref<8x1024xf32, #tpu.memory_space<vmem>>, vector<8x1024xf32>
    tpu.vector_store %arg1[%swap3A, %swap3A_1], %broadcast_in_dim3A_0 {strides = array<i32>} : memref<8x1024xf32, #tpu.memory_space<vmem>>, vector<8x1024xf32>,
    %iota3A = tpu.iota {dimensions = array<i32: 0>} : vector<256x256xi32>
    %iota3A_3 = tpu.iota {dimensions = array<i32: 1>} : vector<256x256xi32>
    %eq3A = arith.cmpi eq, %iota3A, %iota3A_3 : vector<256x256xi32>
    %convert_element_type3A = arith.extui %eq3A : vector<256x256xi1> to vector<256x256xi32>
    %convert_element_type3A_4 = arith.sitofp %convert_element_type3A : vector<256x256xi32> to vector<256x256xf32>
    %lt3A = arith.cmpi slt, %iota3A, %iota3A_3 : vector<256x256xi32>
    %convert_element_type3A_5 = arith.extui %lt3A : vector<256x256xi1> to vector<256x256xi32>
    %convert_element_type3A_6 = arith.sitofp %convert_element_type3A_5 : vector<256x256xi32> to vector<256x256xf32>
    %le3A = arith.cmpi sle, %iota3A, %iota3A_3 : vector<256x256xi32>
    %convert_element_type3A_7 = arith.extui %le3A : vector<256x256xi1> to vector<256x256xi32>
    %convert_element_type3A_8 = arith.sitofp %convert_element_type3A_7 : vector<256x256xi32> to vector<256x256xf32>
    %iota3A_9 = tpu.iota {dimensions = array<i32: 1>} : vector<256x1024xi32>
    %while3A = arith.constant 0 : i32
    %while3A_10 = arith.constant 0 : i32
    %while3A_11:2 = scf.while (%while3A_17 = %while3A, %while3A_18 = %while3A_10) : (i32, i32) -> (i32, i32) {
      %lt3A_19 = arith.constant 8 : i32
      %lt3A_20 = arith.cmpi slt, %while3A_17, %lt3A_19 : i32
      %lt3A_21 = arith.constant 1000 : i32
      %lt3A_22 = arith.cmpi slt, %while3A_18, %lt3A_21 : i32
      %and3A = arith.andi %lt3A_20, %lt3A_22 : i1
      scf.condition(%and3A) %while3A_17, %while3A_18 : i32, i32
    } do {
    ^bb0(%while3A_17: i32, %while3A_18: i32):
      %mul3A = arith.constant 256 : i32
      %mul3A_19 = arith.muli %while3A_17, %mul3A : i32
      %get3A = arith.constant 0 : index
      %get3A_20 = arith.index_cast %mul3A_19 : i32 to index
      %get3A_21 = vector.load %arg0[%get3A, %get3A_20] : memref<8x2048xf32, #tpu.memory_space<vmem>>, vector<1x256xf32>
      %dot_general3A = arith.constant dense<0.000000e+00> : vector<256x1xf32>
      %dot_general3A_22 = tpu.matmul %convert_element_type3A_4, %get3A_21, %dot_general3A {dimension_numbers = #tpu.dot_dimension_numbers<[1], [1], [0], [0], [0, 0, 1, 0], [], []>, precision = #tpu.contract_precision<fp32>, transpose_lhs_hint = false} : vector<256x256xf32>, vector<1x256xf32>, vector<256x1xf32> -> vector<256x1xf32>
      %mul3A_23 = arith.constant 256 : i32
      %mul3A_24 = arith.muli %while3A_17, %mul3A_23 : i32
      %swap3A_25 = arith.index_cast %mul3A_24 : i32 to index
      %swap3A_26 = arith.constant 0 : index
      %swap3A_27 = vector.load %arg3[%swap3A_25, %swap3A_26] : memref<2048x4xf32, #tpu.memory_space<vmem>>, vector<256x1xf32>
      tpu.vector_store %arg3[%swap3A_25, %swap3A_26], %dot_general3A_22 {strides = array<i32>} : memref<2048x4xf32, #tpu.memory_space<vmem>>, vector<256x1xf32>,
      %mul3A_28 = arith.constant 256 : i32
      %mul3A_29 = arith.muli %while3A_17, %mul3A_28 : i32
      %get3A_30 = arith.constant 1 : index
      %get3A_31 = arith.index_cast %mul3A_29 : i32 to index
      %get3A_32 = vector.load %arg0[%get3A_30, %get3A_31] : memref<8x2048xf32, #tpu.memory_space<vmem>>, vector<1x256xf32>
      %dot_general3A_33 = arith.constant dense<0.000000e+00> : vector<256x1xf32>
      %dot_general3A_34 = tpu.matmul %convert_element_type3A_4, %get3A_32, %dot_general3A_33 {dimension_numbers = #tpu.dot_dimension_numbers<[1], [1], [0], [0], [0, 0, 1, 0], [], []>, precision = #tpu.contract_precision<fp32>, transpose_lhs_hint = false} : vector<256x256xf32>, vector<1x256xf32>, vector<256x1xf32> -> vector<256x1xf32>
      %mul3A_35 = arith.constant 256 : i32
      %mul3A_36 = arith.muli %while3A_17, %mul3A_35 : i32
      %swap3A_37 = arith.index_cast %mul3A_36 : i32 to index
      %swap3A_38 = arith.constant 1 : index
      %swap3A_39 = vector.load %arg3[%swap3A_37, %swap3A_38] : memref<2048x4xf32, #tpu.memory_space<vmem>>, vector<256x1xf32>
      tpu.vector_store %arg3[%swap3A_37, %swap3A_38], %dot_general3A_34 {strides = array<i32>} : memref<2048x4xf32, #tpu.memory_space<vmem>>, vector<256x1xf32>,
      %mul3A_40 = arith.constant 256 : i32
      %mul3A_41 = arith.muli %while3A_17, %mul3A_40 : i32
      %get3A_42 = arith.constant 2 : index
      %get3A_43 = arith.index_cast %mul3A_41 : i32 to index
      %get3A_44 = vector.load %arg0[%get3A_42, %get3A_43] : memref<8x2048xf32, #tpu.memory_space<vmem>>, vector<1x256xf32>
      %dot_general3A_45 = arith.constant dense<0.000000e+00> : vector<256x1xf32>
      %dot_general3A_46 = tpu.matmul %convert_element_type3A_4, %get3A_44, %dot_general3A_45 {dimension_numbers = #tpu.dot_dimension_numbers<[1], [1], [0], [0], [0, 0, 1, 0], [], []>, precision = #tpu.contract_precision<fp32>, transpose_lhs_hint = false} : vector<256x256xf32>, vector<1x256xf32>, vector<256x1xf32> -> vector<256x1xf32>
      %mul3A_47 = arith.constant 256 : i32
      %mul3A_48 = arith.muli %while3A_17, %mul3A_47 : i32
      %swap3A_49 = arith.index_cast %mul3A_48 : i32 to index
      %swap3A_50 = arith.constant 2 : index
      %swap3A_51 = vector.load %arg3[%swap3A_49, %swap3A_50] : memref<2048x4xf32, #tpu.memory_space<vmem>>, vector<256x1xf32>
      tpu.vector_store %arg3[%swap3A_49, %swap3A_50], %dot_general3A_46 {strides = array<i32>} : memref<2048x4xf32, #tpu.memory_space<vmem>>, vector<256x1xf32>,
      %mul3A_52 = arith.constant 256 : i32
      %mul3A_53 = arith.muli %while3A_17, %mul3A_52 : i32
      %get3A_54 = arith.constant 3 : index
      %get3A_55 = arith.index_cast %mul3A_53 : i32 to index
      %get3A_56 = vector.load %arg0[%get3A_54, %get3A_55] : memref<8x2048xf32, #tpu.memory_space<vmem>>, vector<1x256xf32>
      %dot_general3A_57 = arith.constant dense<0.000000e+00> : vector<256x1xf32>
      %dot_general3A_58 = tpu.matmul %convert_element_type3A_4, %get3A_56, %dot_general3A_57 {dimension_numbers = #tpu.dot_dimension_numbers<[1], [1], [0], [0], [0, 0, 1, 0], [], []>, precision = #tpu.contract_precision<fp32>, transpose_lhs_hint = false} : vector<256x256xf32>, vector<1x256xf32>, vector<256x1xf32> -> vector<256x1xf32>
      %mul3A_59 = arith.constant 256 : i32
      %mul3A_60 = arith.muli %while3A_17, %mul3A_59 : i32
      %swap3A_61 = arith.index_cast %mul3A_60 : i32 to index
      %swap3A_62 = arith.constant 3 : index
      %swap3A_63 = vector.load %arg3[%swap3A_61, %swap3A_62] : memref<2048x4xf32, #tpu.memory_space<vmem>>, vector<256x1xf32>
      tpu.vector_store %arg3[%swap3A_61, %swap3A_62], %dot_general3A_58 {strides = array<i32>} : memref<2048x4xf32, #tpu.memory_space<vmem>>, vector<256x1xf32>,
      %broadcast_in_dim3A_64 = arith.constant 0.000000e+00 : f32
      %broadcast_in_dim3A_65 = vector.broadcast %broadcast_in_dim3A_64 : f32 to vector<1x256xf32>
      %while3A_66 = arith.constant 0 : i32
      %while3A_67 = arith.subi %while3A_17, %while3A_66 : i32
      %while3A_68 = arith.addi %while3A_66, %while3A_67 : i32
      %while3A_69 = arith.constant 1 : i32
      %while3A_70 = arith.divsi %while3A_67, %while3A_69 : i32
      %while3A_71 = arith.muli %while3A_70, %while3A_69 : i32
      %while3A_72 = arith.addi %while3A_66, %while3A_71 : i32
      %while3A_73 = arith.constant 1 : i32
      %while3A_74 = scf.for %while3A_213 = %while3A_66 to %while3A_72 step %while3A_73 iter_args(%while3A_214 = %broadcast_in_dim3A_65) -> (vector<1x256xf32>)  : i32 {
        %mul3A_215 = arith.constant 256 : i32
        %mul3A_216 = arith.muli %while3A_213, %mul3A_215 : i32
        %get3A_217 = arith.index_cast %mul3A_216 : i32 to index
        %get3A_218 = arith.constant 0 : index
        %get3A_219 = vector.load %arg3[%get3A_217, %get3A_218] : memref<2048x4xf32, #tpu.memory_space<vmem>>, vector<256x1xf32>
        %mul3A_220 = arith.constant 256 : i32
        %mul3A_221 = arith.muli %while3A_213, %mul3A_220 : i32
        %get3A_222 = arith.index_cast %mul3A_221 : i32 to index
        %get3A_223 = arith.constant 1 : index
        %get3A_224 = vector.load %arg3[%get3A_222, %get3A_223] : memref<2048x4xf32, #tpu.memory_space<vmem>>, vector<256x1xf32>
        %mul3A_225 = arith.constant 256 : i32
        %mul3A_226 = arith.muli %while3A_213, %mul3A_225 : i32
        %get3A_227 = arith.index_cast %mul3A_226 : i32 to index
        %get3A_228 = arith.constant 2 : index
        %get3A_229 = vector.load %arg3[%get3A_227, %get3A_228] : memref<2048x4xf32, #tpu.memory_space<vmem>>, vector<256x1xf32>
        %mul3A_230 = arith.constant 256 : i32
        %mul3A_231 = arith.muli %while3A_213, %mul3A_230 : i32
        %get3A_232 = arith.index_cast %mul3A_231 : i32 to index
        %get3A_233 = arith.constant 3 : index
        %get3A_234 = vector.load %arg3[%get3A_232, %get3A_233] : memref<2048x4xf32, #tpu.memory_space<vmem>>, vector<256x1xf32>
        %mul3A_235 = arith.constant 256 : i32
        %mul3A_236 = arith.muli %while3A_17, %mul3A_235 : i32
        %get3A_237 = arith.constant 0 : index
        %get3A_238 = arith.index_cast %mul3A_236 : i32 to index
        %get3A_239 = vector.load %arg0[%get3A_237, %get3A_238] : memref<8x2048xf32, #tpu.memory_space<vmem>>, vector<1x256xf32>
        %mul3A_240 = arith.constant 256 : i32
        %mul3A_241 = arith.muli %while3A_17, %mul3A_240 : i32
        %get3A_242 = arith.constant 1 : index
        %get3A_243 = arith.index_cast %mul3A_241 : i32 to index
        %get3A_244 = vector.load %arg0[%get3A_242, %get3A_243] : memref<8x2048xf32, #tpu.memory_space<vmem>>, vector<1x256xf32>
        %mul3A_245 = arith.constant 256 : i32
        %mul3A_246 = arith.muli %while3A_17, %mul3A_245 : i32
        %get3A_247 = arith.constant 2 : index
        %get3A_248 = arith.index_cast %mul3A_246 : i32 to index
        %get3A_249 = vector.load %arg0[%get3A_247, %get3A_248] : memref<8x2048xf32, #tpu.memory_space<vmem>>, vector<1x256xf32>
        %mul3A_250 = arith.constant 256 : i32
        %mul3A_251 = arith.muli %while3A_17, %mul3A_250 : i32
        %get3A_252 = arith.constant 3 : index
        %get3A_253 = arith.index_cast %mul3A_251 : i32 to index
        %get3A_254 = vector.load %arg0[%get3A_252, %get3A_253] : memref<8x2048xf32, #tpu.memory_space<vmem>>, vector<1x256xf32>
        %sub3A_255 = arith.subf %get3A_229, %get3A_219 : vector<256x1xf32>
        %sub3A_256 = arith.subf %get3A_234, %get3A_224 : vector<256x1xf32>
        %mul3A_257 = arith.mulf %sub3A_255, %sub3A_256 : vector<256x1xf32>
        %sub3A_258 = arith.subf %get3A_249, %get3A_239 : vector<1x256xf32>
        %sub3A_259 = arith.subf %get3A_254, %get3A_244 : vector<1x256xf32>
        %mul3A_260 = arith.mulf %sub3A_258, %sub3A_259 : vector<1x256xf32>
        %min3A_261 = vector.broadcast %get3A_249 : vector<1x256xf32> to vector<256x256xf32>
        %min3A_262 = vector.broadcast %get3A_229 : vector<256x1xf32> to vector<256x256xf32>
        %min3A_263 = arith.minimumf %min3A_261, %min3A_262 : vector<256x256xf32>
        %max3A_264 = vector.broadcast %get3A_239 : vector<1x256xf32> to vector<256x256xf32>
        %max3A_265 = vector.broadcast %get3A_219 : vector<256x1xf32> to vector<256x256xf32>
        %max3A_266 = arith.maximumf %max3A_264, %max3A_265 : vector<256x256xf32>
        %sub3A_267 = arith.subf %min3A_263, %max3A_266 : vector<256x256xf32>
        %max3A_268 = arith.constant 0.000000e+00 : f32
        %max3A_269 = vector.broadcast %max3A_268 : f32 to vector<256x256xf32>
        %max3A_270 = arith.maximumf %sub3A_267, %max3A_269 : vector<256x256xf32>
        %min3A_271 = vector.broadcast %get3A_254 : vector<1x256xf32> to vector<256x256xf32>
        %min3A_272 = vector.broadcast %get3A_234 : vector<256x1xf32> to vector<256x256xf32>
        %min3A_273 = arith.minimumf %min3A_271, %min3A_272 : vector<256x256xf32>
        %max3A_274 = vector.broadcast %get3A_244 : vector<1x256xf32> to vector<256x256xf32>
        %max3A_275 = vector.broadcast %get3A_224 : vector<256x1xf32> to vector<256x256xf32>
        %max3A_276 = arith.maximumf %max3A_274, %max3A_275 : vector<256x256xf32>
        %sub3A_277 = arith.subf %min3A_273, %max3A_276 : vector<256x256xf32>
        %max3A_278 = arith.constant 0.000000e+00 : f32
        %max3A_279 = vector.broadcast %max3A_278 : f32 to vector<256x256xf32>
        %max3A_280 = arith.maximumf %sub3A_277, %max3A_279 : vector<256x256xf32>
        %mul3A_281 = arith.mulf %max3A_270, %max3A_280 : vector<256x256xf32>
        %add3A_282 = vector.broadcast %mul3A_260 : vector<1x256xf32> to vector<256x256xf32>
        %add3A_283 = vector.broadcast %mul3A_257 : vector<256x1xf32> to vector<256x256xf32>
        %add3A_284 = arith.addf %add3A_282, %add3A_283 : vector<256x256xf32>
        %sub3A_285 = arith.subf %add3A_284, %mul3A_281 : vector<256x256xf32>
        %add3A_286 = arith.constant 9.99999971E-10 : f32
        %add3A_287 = vector.broadcast %add3A_286 : f32 to vector<256x256xf32>
        %add3A_288 = arith.addf %sub3A_285, %add3A_287 : vector<256x256xf32>
        %div3A_289 = arith.divf %mul3A_281, %add3A_288 : vector<256x256xf32>
        %gt3A_290 = arith.constant 5.000000e-01 : f32
        %gt3A_291 = vector.broadcast %gt3A_290 : f32 to vector<256x256xf32>
        %gt3A_292 = arith.cmpf ogt, %div3A_289, %gt3A_291 : vector<256x256xf32>
        %convert_element_type3A_293 = arith.extui %gt3A_292 : vector<256x256xi1> to vector<256x256xi32>
        %convert_element_type3A_294 = arith.sitofp %convert_element_type3A_293 : vector<256x256xi32> to vector<256x256xf32>
        %mul3A_295 = arith.constant 256 : i32
        %mul3A_296 = arith.muli %while3A_213, %mul3A_295 : i32
        %get3A_297 = arith.constant 0 : index
        %get3A_298 = arith.index_cast %mul3A_296 : i32 to index
        %get3A_299 = vector.load %arg2[%get3A_297, %get3A_298] : memref<1x2048xf32, #tpu.memory_space<vmem>>, vector<1x256xf32>
        %dot_general3A_300 = arith.constant dense<0.000000e+00> : vector<1x256xf32>
        %dot_general3A_301 = tpu.matmul %get3A_299, %convert_element_type3A_294, %dot_general3A_300 {dimension_numbers = #tpu.dot_dimension_numbers<[1], [0], [0], [1], [0, 0, 1, 1], [], []>, transpose_lhs_hint = false} : vector<1x256xf32>, vector<256x256xf32>, vector<1x256xf32> -> vector<1x256xf32>
        %max3A_302 = arith.maximumf %while3A_214, %dot_general3A_301 : vector<1x256xf32>
        scf.yield %max3A_302 : vector<1x256xf32>
      }
      %while3A_75 = arith.constant 1 : i32
      %while3A_76 = scf.for %while3A_213 = %while3A_72 to %while3A_68 step %while3A_75 iter_args(%while3A_214 = %while3A_74) -> (vector<1x256xf32>)  : i32 {
        %mul3A_215 = arith.constant 256 : i32
        %mul3A_216 = arith.muli %while3A_213, %mul3A_215 : i32
        %get3A_217 = arith.index_cast %mul3A_216 : i32 to index
        %get3A_218 = arith.constant 0 : index
        %get3A_219 = vector.load %arg3[%get3A_217, %get3A_218] : memref<2048x4xf32, #tpu.memory_space<vmem>>, vector<256x1xf32>
        %mul3A_220 = arith.constant 256 : i32
        %mul3A_221 = arith.muli %while3A_213, %mul3A_220 : i32
        %get3A_222 = arith.index_cast %mul3A_221 : i32 to index
        %get3A_223 = arith.constant 1 : index
        %get3A_224 = vector.load %arg3[%get3A_222, %get3A_223] : memref<2048x4xf32, #tpu.memory_space<vmem>>, vector<256x1xf32>
        %mul3A_225 = arith.constant 256 : i32
        %mul3A_226 = arith.muli %while3A_213, %mul3A_225 : i32
        %get3A_227 = arith.index_cast %mul3A_226 : i32 to index
        %get3A_228 = arith.constant 2 : index
        %get3A_229 = vector.load %arg3[%get3A_227, %get3A_228] : memref<2048x4xf32, #tpu.memory_space<vmem>>, vector<256x1xf32>
        %mul3A_230 = arith.constant 256 : i32
        %mul3A_231 = arith.muli %while3A_213, %mul3A_230 : i32
        %get3A_232 = arith.index_cast %mul3A_231 : i32 to index
        %get3A_233 = arith.constant 3 : index
        %get3A_234 = vector.load %arg3[%get3A_232, %get3A_233] : memref<2048x4xf32, #tpu.memory_space<vmem>>, vector<256x1xf32>
        %mul3A_235 = arith.constant 256 : i32
        %mul3A_236 = arith.muli %while3A_17, %mul3A_235 : i32
        %get3A_237 = arith.constant 0 : index
        %get3A_238 = arith.index_cast %mul3A_236 : i32 to index
        %get3A_239 = vector.load %arg0[%get3A_237, %get3A_238] : memref<8x2048xf32, #tpu.memory_space<vmem>>, vector<1x256xf32>
        %mul3A_240 = arith.constant 256 : i32
        %mul3A_241 = arith.muli %while3A_17, %mul3A_240 : i32
        %get3A_242 = arith.constant 1 : index
        %get3A_243 = arith.index_cast %mul3A_241 : i32 to index
        %get3A_244 = vector.load %arg0[%get3A_242, %get3A_243] : memref<8x2048xf32, #tpu.memory_space<vmem>>, vector<1x256xf32>
        %mul3A_245 = arith.constant 256 : i32
        %mul3A_246 = arith.muli %while3A_17, %mul3A_245 : i32
        %get3A_247 = arith.constant 2 : index
        %get3A_248 = arith.index_cast %mul3A_246 : i32 to index
        %get3A_249 = vector.load %arg0[%get3A_247, %get3A_248] : memref<8x2048xf32, #tpu.memory_space<vmem>>, vector<1x256xf32>
        %mul3A_250 = arith.constant 256 : i32
        %mul3A_251 = arith.muli %while3A_17, %mul3A_250 : i32
        %get3A_252 = arith.constant 3 : index
        %get3A_253 = arith.index_cast %mul3A_251 : i32 to index
        %get3A_254 = vector.load %arg0[%get3A_252, %get3A_253] : memref<8x2048xf32, #tpu.memory_space<vmem>>, vector<1x256xf32>
        %sub3A_255 = arith.subf %get3A_229, %get3A_219 : vector<256x1xf32>
        %sub3A_256 = arith.subf %get3A_234, %get3A_224 : vector<256x1xf32>
        %mul3A_257 = arith.mulf %sub3A_255, %sub3A_256 : vector<256x1xf32>
        %sub3A_258 = arith.subf %get3A_249, %get3A_239 : vector<1x256xf32>
        %sub3A_259 = arith.subf %get3A_254, %get3A_244 : vector<1x256xf32>
        %mul3A_260 = arith.mulf %sub3A_258, %sub3A_259 : vector<1x256xf32>
        %min3A_261 = vector.broadcast %get3A_249 : vector<1x256xf32> to vector<256x256xf32>
        %min3A_262 = vector.broadcast %get3A_229 : vector<256x1xf32> to vector<256x256xf32>
        %min3A_263 = arith.minimumf %min3A_261, %min3A_262 : vector<256x256xf32>
        %max3A_264 = vector.broadcast %get3A_239 : vector<1x256xf32> to vector<256x256xf32>
        %max3A_265 = vector.broadcast %get3A_219 : vector<256x1xf32> to vector<256x256xf32>
        %max3A_266 = arith.maximumf %max3A_264, %max3A_265 : vector<256x256xf32>
        %sub3A_267 = arith.subf %min3A_263, %max3A_266 : vector<256x256xf32>
        %max3A_268 = arith.constant 0.000000e+00 : f32
        %max3A_269 = vector.broadcast %max3A_268 : f32 to vector<256x256xf32>
        %max3A_270 = arith.maximumf %sub3A_267, %max3A_269 : vector<256x256xf32>
        %min3A_271 = vector.broadcast %get3A_254 : vector<1x256xf32> to vector<256x256xf32>
        %min3A_272 = vector.broadcast %get3A_234 : vector<256x1xf32> to vector<256x256xf32>
        %min3A_273 = arith.minimumf %min3A_271, %min3A_272 : vector<256x256xf32>
        %max3A_274 = vector.broadcast %get3A_244 : vector<1x256xf32> to vector<256x256xf32>
        %max3A_275 = vector.broadcast %get3A_224 : vector<256x1xf32> to vector<256x256xf32>
        %max3A_276 = arith.maximumf %max3A_274, %max3A_275 : vector<256x256xf32>
        %sub3A_277 = arith.subf %min3A_273, %max3A_276 : vector<256x256xf32>
        %max3A_278 = arith.constant 0.000000e+00 : f32
        %max3A_279 = vector.broadcast %max3A_278 : f32 to vector<256x256xf32>
        %max3A_280 = arith.maximumf %sub3A_277, %max3A_279 : vector<256x256xf32>
        %mul3A_281 = arith.mulf %max3A_270, %max3A_280 : vector<256x256xf32>
        %add3A_282 = vector.broadcast %mul3A_260 : vector<1x256xf32> to vector<256x256xf32>
        %add3A_283 = vector.broadcast %mul3A_257 : vector<256x1xf32> to vector<256x256xf32>
        %add3A_284 = arith.addf %add3A_282, %add3A_283 : vector<256x256xf32>
        %sub3A_285 = arith.subf %add3A_284, %mul3A_281 : vector<256x256xf32>
        %add3A_286 = arith.constant 9.99999971E-10 : f32
        %add3A_287 = vector.broadcast %add3A_286 : f32 to vector<256x256xf32>
        %add3A_288 = arith.addf %sub3A_285, %add3A_287 : vector<256x256xf32>
        %div3A_289 = arith.divf %mul3A_281, %add3A_288 : vector<256x256xf32>
        %gt3A_290 = arith.constant 5.000000e-01 : f32
        %gt3A_291 = vector.broadcast %gt3A_290 : f32 to vector<256x256xf32>
        %gt3A_292 = arith.cmpf ogt, %div3A_289, %gt3A_291 : vector<256x256xf32>
        %convert_element_type3A_293 = arith.extui %gt3A_292 : vector<256x256xi1> to vector<256x256xi32>
        %convert_element_type3A_294 = arith.sitofp %convert_element_type3A_293 : vector<256x256xi32> to vector<256x256xf32>
        %mul3A_295 = arith.constant 256 : i32
        %mul3A_296 = arith.muli %while3A_213, %mul3A_295 : i32
        %get3A_297 = arith.constant 0 : index
        %get3A_298 = arith.index_cast %mul3A_296 : i32 to index
        %get3A_299 = vector.load %arg2[%get3A_297, %get3A_298] : memref<1x2048xf32, #tpu.memory_space<vmem>>, vector<1x256xf32>
        %dot_general3A_300 = arith.constant dense<0.000000e+00> : vector<1x256xf32>
        %dot_general3A_301 = tpu.matmul %get3A_299, %convert_element_type3A_294, %dot_general3A_300 {dimension_numbers = #tpu.dot_dimension_numbers<[1], [0], [0], [1], [0, 0, 1, 1], [], []>, transpose_lhs_hint = false} : vector<1x256xf32>, vector<256x256xf32>, vector<1x256xf32> -> vector<1x256xf32>
        %max3A_302 = arith.maximumf %while3A_214, %dot_general3A_301 : vector<1x256xf32>
        scf.yield %max3A_302 : vector<1x256xf32>
      }
      %mul3A_77 = arith.constant 256 : i32
      %mul3A_78 = arith.muli %while3A_17, %mul3A_77 : i32
      %get3A_79 = arith.constant 5 : index
      %get3A_80 = arith.index_cast %mul3A_78 : i32 to index
      %get3A_81 = vector.load %arg0[%get3A_79, %get3A_80] : memref<8x2048xf32, #tpu.memory_space<vmem>>, vector<1x256xf32>
      %gt3A = arith.constant 5.000000e-01 : f32
      %gt3A_82 = vector.broadcast %gt3A : f32 to vector<1x256xf32>
      %gt3A_83 = arith.cmpf ogt, %get3A_81, %gt3A_82 : vector<1x256xf32>
      %lt3A_84 = arith.constant 5.000000e-01 : f32
      %lt3A_85 = vector.broadcast %lt3A_84 : f32 to vector<1x256xf32>
      %lt3A_86 = arith.cmpf olt, %while3A_76, %lt3A_85 : vector<1x256xf32>
      %and3A = arith.andi %gt3A_83, %lt3A_86 : vector<1x256xi1>
      %mul3A_87 = arith.constant 256 : i32
      %mul3A_88 = arith.muli %while3A_17, %mul3A_87 : i32
      %get3A_89 = arith.index_cast %mul3A_88 : i32 to index
      %get3A_90 = arith.constant 0 : index
      %get3A_91 = vector.load %arg3[%get3A_89, %get3A_90] : memref<2048x4xf32, #tpu.memory_space<vmem>>, vector<256x1xf32>
      %mul3A_92 = arith.constant 256 : i32
      %mul3A_93 = arith.muli %while3A_17, %mul3A_92 : i32
      %get3A_94 = arith.index_cast %mul3A_93 : i32 to index
      %get3A_95 = arith.constant 1 : index
      %get3A_96 = vector.load %arg3[%get3A_94, %get3A_95] : memref<2048x4xf32, #tpu.memory_space<vmem>>, vector<256x1xf32>
      %mul3A_97 = arith.constant 256 : i32
      %mul3A_98 = arith.muli %while3A_17, %mul3A_97 : i32
      %get3A_99 = arith.index_cast %mul3A_98 : i32 to index
      %get3A_100 = arith.constant 2 : index
      %get3A_101 = vector.load %arg3[%get3A_99, %get3A_100] : memref<2048x4xf32, #tpu.memory_space<vmem>>, vector<256x1xf32>
      %mul3A_102 = arith.constant 256 : i32
      %mul3A_103 = arith.muli %while3A_17, %mul3A_102 : i32
      %get3A_104 = arith.index_cast %mul3A_103 : i32 to index
      %get3A_105 = arith.constant 3 : index
      %get3A_106 = vector.load %arg3[%get3A_104, %get3A_105] : memref<2048x4xf32, #tpu.memory_space<vmem>>, vector<256x1xf32>
      %mul3A_107 = arith.constant 256 : i32
      %mul3A_108 = arith.muli %while3A_17, %mul3A_107 : i32
      %get3A_109 = arith.constant 0 : index
      %get3A_110 = arith.index_cast %mul3A_108 : i32 to index
      %get3A_111 = vector.load %arg0[%get3A_109, %get3A_110] : memref<8x2048xf32, #tpu.memory_space<vmem>>, vector<1x256xf32>
      %mul3A_112 = arith.constant 256 : i32
      %mul3A_113 = arith.muli %while3A_17, %mul3A_112 : i32
      %get3A_114 = arith.constant 1 : index
      %get3A_115 = arith.index_cast %mul3A_113 : i32 to index
      %get3A_116 = vector.load %arg0[%get3A_114, %get3A_115] : memref<8x2048xf32, #tpu.memory_space<vmem>>, vector<1x256xf32>
      %mul3A_117 = arith.constant 256 : i32
      %mul3A_118 = arith.muli %while3A_17, %mul3A_117 : i32
      %get3A_119 = arith.constant 2 : index
      %get3A_120 = arith.index_cast %mul3A_118 : i32 to index
      %get3A_121 = vector.load %arg0[%get3A_119, %get3A_120] : memref<8x2048xf32, #tpu.memory_space<vmem>>, vector<1x256xf32>
      %mul3A_122 = arith.constant 256 : i32
      %mul3A_123 = arith.muli %while3A_17, %mul3A_122 : i32
      %get3A_124 = arith.constant 3 : index
      %get3A_125 = arith.index_cast %mul3A_123 : i32 to index
      %get3A_126 = vector.load %arg0[%get3A_124, %get3A_125] : memref<8x2048xf32, #tpu.memory_space<vmem>>, vector<1x256xf32>
      %sub3A = arith.subf %get3A_101, %get3A_91 : vector<256x1xf32>
      %sub3A_127 = arith.subf %get3A_106, %get3A_96 : vector<256x1xf32>
      %mul3A_128 = arith.mulf %sub3A, %sub3A_127 : vector<256x1xf32>
      %sub3A_129 = arith.subf %get3A_121, %get3A_111 : vector<1x256xf32>
      %sub3A_130 = arith.subf %get3A_126, %get3A_116 : vector<1x256xf32>
      %mul3A_131 = arith.mulf %sub3A_129, %sub3A_130 : vector<1x256xf32>
      %min3A = vector.broadcast %get3A_121 : vector<1x256xf32> to vector<256x256xf32>
      %min3A_132 = vector.broadcast %get3A_101 : vector<256x1xf32> to vector<256x256xf32>
      %min3A_133 = arith.minimumf %min3A, %min3A_132 : vector<256x256xf32>
      %max3A = vector.broadcast %get3A_111 : vector<1x256xf32> to vector<256x256xf32>
      %max3A_134 = vector.broadcast %get3A_91 : vector<256x1xf32> to vector<256x256xf32>
      %max3A_135 = arith.maximumf %max3A, %max3A_134 : vector<256x256xf32>
      %sub3A_136 = arith.subf %min3A_133, %max3A_135 : vector<256x256xf32>
      %max3A_137 = arith.constant 0.000000e+00 : f32
      %max3A_138 = vector.broadcast %max3A_137 : f32 to vector<256x256xf32>
      %max3A_139 = arith.maximumf %sub3A_136, %max3A_138 : vector<256x256xf32>
      %min3A_140 = vector.broadcast %get3A_126 : vector<1x256xf32> to vector<256x256xf32>
      %min3A_141 = vector.broadcast %get3A_106 : vector<256x1xf32> to vector<256x256xf32>
      %min3A_142 = arith.minimumf %min3A_140, %min3A_141 : vector<256x256xf32>
      %max3A_143 = vector.broadcast %get3A_116 : vector<1x256xf32> to vector<256x256xf32>
      %max3A_144 = vector.broadcast %get3A_96 : vector<256x1xf32> to vector<256x256xf32>
      %max3A_145 = arith.maximumf %max3A_143, %max3A_144 : vector<256x256xf32>
      %sub3A_146 = arith.subf %min3A_142, %max3A_145 : vector<256x256xf32>
      %max3A_147 = arith.constant 0.000000e+00 : f32
      %max3A_148 = vector.broadcast %max3A_147 : f32 to vector<256x256xf32>
      %max3A_149 = arith.maximumf %sub3A_146, %max3A_148 : vector<256x256xf32>
      %mul3A_150 = arith.mulf %max3A_139, %max3A_149 : vector<256x256xf32>
      %add3A = vector.broadcast %mul3A_131 : vector<1x256xf32> to vector<256x256xf32>
      %add3A_151 = vector.broadcast %mul3A_128 : vector<256x1xf32> to vector<256x256xf32>
      %add3A_152 = arith.addf %add3A, %add3A_151 : vector<256x256xf32>
      %sub3A_153 = arith.subf %add3A_152, %mul3A_150 : vector<256x256xf32>
      %add3A_154 = arith.constant 9.99999971E-10 : f32
      %add3A_155 = vector.broadcast %add3A_154 : f32 to vector<256x256xf32>
      %add3A_156 = arith.addf %sub3A_153, %add3A_155 : vector<256x256xf32>
      %div3A = arith.divf %mul3A_150, %add3A_156 : vector<256x256xf32>
      %gt3A_157 = arith.constant 5.000000e-01 : f32
      %gt3A_158 = vector.broadcast %gt3A_157 : f32 to vector<256x256xf32>
      %gt3A_159 = arith.cmpf ogt, %div3A, %gt3A_158 : vector<256x256xf32>
      %convert_element_type3A_160 = arith.extui %gt3A_159 : vector<256x256xi1> to vector<256x256xi32>
      %convert_element_type3A_161 = arith.sitofp %convert_element_type3A_160 : vector<256x256xi32> to vector<256x256xf32>
      %mul3A_162 = arith.mulf %convert_element_type3A_161, %convert_element_type3A_6 : vector<256x256xf32>
      %convert_element_type3A_163 = arith.extui %and3A : vector<1x256xi1> to vector<1x256xi32>
      %convert_element_type3A_164 = arith.sitofp %convert_element_type3A_163 : vector<1x256xi32> to vector<1x256xf32>
      %while3A_165 = arith.constant true
      %while3A_166:2 = scf.while (%while3A_213 = %convert_element_type3A_164, %while3A_214 = %while3A_165) : (vector<1x256xf32>, i1) -> (vector<1x256xf32>, i1) {
        scf.condition(%while3A_214) %while3A_213, %while3A_214 : vector<1x256xf32>, i1
      } do {
      ^bb0(%while3A_213: vector<1x256xf32>, %while3A_214: i1):
        %dot_general3A_215 = arith.constant dense<0.000000e+00> : vector<1x256xf32>
        %dot_general3A_216 = tpu.matmul %while3A_213, %mul3A_162, %dot_general3A_215 {dimension_numbers = #tpu.dot_dimension_numbers<[1], [0], [0], [1], [0, 0, 1, 1], [], []>, transpose_lhs_hint = false} : vector<1x256xf32>, vector<256x256xf32>, vector<1x256xf32> -> vector<1x256xf32>
        %lt3A_217 = arith.constant 5.000000e-01 : f32
        %lt3A_218 = vector.broadcast %lt3A_217 : f32 to vector<1x256xf32>
        %lt3A_219 = arith.cmpf olt, %dot_general3A_216, %lt3A_218 : vector<1x256xf32>
        %and3A_220 = arith.andi %and3A, %lt3A_219 : vector<1x256xi1>
        %jit3A_221 = arith.constant 1.000000e+00 : f32
        %jit3A_222 = arith.constant 0.000000e+00 : f32
        %broadcast_in_dim3A_223 = vector.broadcast %jit3A_221 : f32 to vector<1x256xf32>
        %broadcast_in_dim3A_224 = vector.broadcast %jit3A_222 : f32 to vector<1x256xf32>
        %select_n3A_225 = arith.select %and3A_220, %broadcast_in_dim3A_223, %broadcast_in_dim3A_224 : vector<1x256xi1>, vector<1x256xf32>
        %ne3A = arith.cmpf one, %select_n3A_225, %while3A_213 : vector<1x256xf32>
        %reduce_or3A = arith.constant 1.000000e+00 : f32
        %reduce_or3A_226 = arith.constant 0.000000e+00 : f32
        %reduce_or3A_227 = vector.broadcast %reduce_or3A : f32 to vector<1x256xf32>
        %reduce_or3A_228 = vector.broadcast %reduce_or3A_226 : f32 to vector<1x256xf32>
        %reduce_or3A_229 = arith.select %ne3A, %reduce_or3A_227, %reduce_or3A_228 : vector<1x256xi1>, vector<1x256xf32>
        %reduce_or3A_230 = vector.shape_cast %reduce_or3A_229 : vector<1x256xf32> to vector<1x1x256xf32>
        %reduce_or3A_231 = arith.constant dense<0xFF800000> : vector<1xf32>
        %reduce_or3A_232 = vector.multi_reduction <maximumf>, %reduce_or3A_230, %reduce_or3A_231 [1, 2] : vector<1x1x256xf32> to vector<1xf32>
        %reduce_or3A_233 = vector.shape_cast %reduce_or3A_232 : vector<1xf32> to vector<1x1x1xf32>
        %reduce_or3A_234 = vector.extract %reduce_or3A_233[0, 0, 0] : f32 from vector<1x1x1xf32>
        %reduce_or3A_235 = arith.constant 0.000000e+00 : f32
        %reduce_or3A_236 = arith.cmpf ogt, %reduce_or3A_234, %reduce_or3A_235 : f32
        scf.yield %select_n3A_225, %reduce_or3A_236 : vector<1x256xf32>, i1
      }
      %mul3A_167 = arith.constant 256 : i32
      %mul3A_168 = arith.muli %while3A_17, %mul3A_167 : i32
      %swap3A_169 = arith.constant 0 : index
      %swap3A_170 = arith.index_cast %mul3A_168 : i32 to index
      %swap3A_171 = vector.load %arg2[%swap3A_169, %swap3A_170] : memref<1x2048xf32, #tpu.memory_space<vmem>>, vector<1x256xf32>
      tpu.vector_store %arg2[%swap3A_169, %swap3A_170], %while3A_166#0 {strides = array<i32>} : memref<1x2048xf32, #tpu.memory_space<vmem>>, vector<1x256xf32>,
      %dot_general3A_172 = arith.constant dense<0.000000e+00> : vector<1x256xf32>
      %dot_general3A_173 = tpu.matmul %while3A_166#0, %convert_element_type3A_8, %dot_general3A_172 {dimension_numbers = #tpu.dot_dimension_numbers<[1], [0], [0], [1], [0, 0, 1, 1], [], []>, transpose_lhs_hint = false} : vector<1x256xf32>, vector<256x256xf32>, vector<1x256xf32> -> vector<1x256xf32>
      %sub3A_174 = arith.constant 1.000000e+00 : f32
      %sub3A_175 = vector.broadcast %sub3A_174 : f32 to vector<1x256xf32>
      %sub3A_176 = arith.subf %dot_general3A_173, %sub3A_175 : vector<1x256xf32>
      %convert_element_type3A_177 = arith.sitofp %while3A_18 : i32 to f32
      %add3A_178 = vector.broadcast %convert_element_type3A_177 : f32 to vector<1x256xf32>
      %add3A_179 = arith.addf %sub3A_176, %add3A_178 : vector<1x256xf32>
      %gt3A_180 = arith.constant 5.000000e-01 : f32
      %gt3A_181 = vector.broadcast %gt3A_180 : f32 to vector<1x256xf32>
      %gt3A_182 = arith.cmpf ogt, %while3A_166#0, %gt3A_181 : vector<1x256xf32>
      %jit3A = arith.constant -1.000000e+00 : f32
      %broadcast_in_dim3A_183 = vector.broadcast %jit3A : f32 to vector<1x256xf32>
      %select_n3A = arith.select %gt3A_182, %add3A_179, %broadcast_in_dim3A_183 : vector<1x256xi1>, vector<1x256xf32>
      %dot_general3A_184 = arith.constant dense<0.000000e+00> : vector<256x1xf32>
      %dot_general3A_185 = tpu.matmul %convert_element_type3A_4, %select_n3A, %dot_general3A_184 {dimension_numbers = #tpu.dot_dimension_numbers<[1], [1], [0], [0], [0, 0, 1, 0], [], []>, precision = #tpu.contract_precision<fp32>, transpose_lhs_hint = false} : vector<256x256xf32>, vector<1x256xf32>, vector<256x1xf32> -> vector<256x1xf32>
      %convert_element_type3A_186 = arith.fptosi %dot_general3A_185 : vector<256x1xf32> to vector<256x1xi32>
      %eq3A_187 = vector.broadcast %convert_element_type3A_186 : vector<256x1xi32> to vector<256x1024xi32>
      %eq3A_188 = arith.cmpi eq, %iota3A_9, %eq3A_187 : vector<256x1024xi32>
      %convert_element_type3A_189 = arith.extui %eq3A_188 : vector<256x1024xi1> to vector<256x1024xi32>
      %convert_element_type3A_190 = arith.sitofp %convert_element_type3A_189 : vector<256x1024xi32> to vector<256x1024xf32>
      %mul3A_191 = arith.constant 256 : i32
      %mul3A_192 = arith.muli %while3A_17, %mul3A_191 : i32
      %get3A_193 = arith.constant 0 : index
      %get3A_194 = arith.index_cast %mul3A_192 : i32 to index
      %get3A_195 = vector.load %arg0[%get3A_193, %get3A_194] : memref<8x2048xf32, #tpu.memory_space<vmem>>, vector<8x256xf32>
      %get3A_196 = arith.constant 0 : index
      %get3A_197 = arith.constant 0 : index
      %get3A_198 = vector.load %arg1[%get3A_196, %get3A_197] : memref<8x1024xf32, #tpu.memory_space<vmem>>, vector<8x1024xf32>
      %dot_general3A_199 = arith.constant dense<0.000000e+00> : vector<8x1024xf32>
      %dot_general3A_200 = tpu.matmul %get3A_195, %convert_element_type3A_190, %dot_general3A_199 {dimension_numbers = #tpu.dot_dimension_numbers<[1], [0], [0], [1], [0, 0, 1, 1], [], []>, precision = #tpu.contract_precision<fp32>, transpose_lhs_hint = false} : vector<8x256xf32>, vector<256x1024xf32>, vector<8x1024xf32> -> vector<8x1024xf32>
      %add3A_201 = arith.addf %get3A_198, %dot_general3A_200 : vector<8x1024xf32>
      %swap3A_202 = arith.constant 0 : index
      %swap3A_203 = arith.constant 0 : index
      %swap3A_204 = vector.load %arg1[%swap3A_202, %swap3A_203] : memref<8x1024xf32, #tpu.memory_space<vmem>>, vector<8x1024xf32>
      tpu.vector_store %arg1[%swap3A_202, %swap3A_203], %add3A_201 {strides = array<i32>} : memref<8x1024xf32, #tpu.memory_space<vmem>>, vector<8x1024xf32>,
      %add3A_205 = arith.constant 1 : i32
      %add3A_206 = arith.addi %while3A_17, %add3A_205 : i32
      %reduce_sum3A = vector.shape_cast %while3A_166#0 : vector<1x256xf32> to vector<1x1x256xf32>
      %reduce_sum3A_207 = arith.constant dense<0.000000e+00> : vector<1xf32>
      %reduce_sum3A_208 = vector.multi_reduction <add>, %reduce_sum3A, %reduce_sum3A_207 [1, 2] : vector<1x1x256xf32> to vector<1xf32>
      %reduce_sum3A_209 = vector.shape_cast %reduce_sum3A_208 : vector<1xf32> to vector<1x1x1xf32>
      %reduce_sum3A_210 = vector.extract %reduce_sum3A_209[0, 0, 0] : f32 from vector<1x1x1xf32>
      %convert_element_type3A_211 = arith.fptosi %reduce_sum3A_210 : f32 to i32
      %add3A_212 = arith.addi %while3A_18, %convert_element_type3A_211 : i32
      scf.yield %add3A_206, %add3A_212 : i32, i32
    }
    %convert_element_type3A_12 = arith.sitofp %while3A_11#1 : i32 to f32
    %broadcast_in_dim3A_13 = vector.broadcast %convert_element_type3A_12 : f32 to vector<1x1024xf32>
    %swap3A_14 = arith.constant 7 : index
    %swap3A_15 = arith.constant 0 : index
    %swap3A_16 = vector.load %arg1[%swap3A_14, %swap3A_15] : memref<8x1024xf32, #tpu.memory_space<vmem>>, vector<1x1024xf32>
    tpu.vector_store %arg1[%swap3A_14, %swap3A_15], %broadcast_in_dim3A_13 {strides = array<i32>} : memref<8x1024xf32, #tpu.memory_space<vmem>>, vector<1x1024xf32>,
    return
  }
}

module attributes {stable_mosaic.version = 14 : i64} {
  func.func @_nms_kernel(%arg0: memref<8x20224xf32, #tpu.memory_space<vmem>>, %arg1: memref<8x1024xf32, #tpu.memory_space<vmem>>, %arg2: memref<1x20224xf32, #tpu.memory_space<vmem>>, %arg3: memref<20224x4xf32, #tpu.memory_space<vmem>>) attributes {dimension_semantics = [], scalar_prefetch = 0 : i64, scratch_operands = 2 : i64, tpu.core_type = #tpu.core_type<tc>} {
    %broadcast_in_dim3A = arith.constant 0.000000e+00 : f32
    %broadcast_in_dim3A_0 = vector.broadcast %broadcast_in_dim3A : f32 to vector<8x1024xf32>
    %swap3A = arith.constant 0 : index
    %swap3A_1 = arith.constant 0 : index
    %swap3A_2 = vector.load %arg1[%swap3A, %swap3A_1] : memref<8x1024xf32, #tpu.memory_space<vmem>>, vector<8x1024xf32>
    tpu.vector_store %arg1[%swap3A, %swap3A_1], %broadcast_in_dim3A_0 {strides = array<i32>} : memref<8x1024xf32, #tpu.memory_space<vmem>>, vector<8x1024xf32>,
    %iota3A = tpu.iota {dimensions = array<i32: 0>} : vector<256x256xi32>
    %iota3A_3 = tpu.iota {dimensions = array<i32: 1>} : vector<256x256xi32>
    %eq3A = arith.cmpi eq, %iota3A, %iota3A_3 : vector<256x256xi32>
    %convert_element_type3A = arith.extui %eq3A : vector<256x256xi1> to vector<256x256xi32>
    %convert_element_type3A_4 = arith.sitofp %convert_element_type3A : vector<256x256xi32> to vector<256x256xf32>
    %lt3A = arith.cmpi slt, %iota3A, %iota3A_3 : vector<256x256xi32>
    %convert_element_type3A_5 = arith.extui %lt3A : vector<256x256xi1> to vector<256x256xi32>
    %convert_element_type3A_6 = arith.sitofp %convert_element_type3A_5 : vector<256x256xi32> to vector<256x256xf32>
    %le3A = arith.cmpi sle, %iota3A, %iota3A_3 : vector<256x256xi32>
    %convert_element_type3A_7 = arith.extui %le3A : vector<256x256xi1> to vector<256x256xi32>
    %convert_element_type3A_8 = arith.sitofp %convert_element_type3A_7 : vector<256x256xi32> to vector<256x256xf32>
    %iota3A_9 = tpu.iota {dimensions = array<i32: 1>} : vector<256x1024xi32>
    %while3A = arith.constant 0 : i32
    %while3A_10 = arith.constant 0 : i32
    %while3A_11:2 = scf.while (%while3A_17 = %while3A, %while3A_18 = %while3A_10) : (i32, i32) -> (i32, i32) {
      %lt3A_19 = arith.constant 79 : i32
      %lt3A_20 = arith.cmpi slt, %while3A_17, %lt3A_19 : i32
      %lt3A_21 = arith.constant 1000 : i32
      %lt3A_22 = arith.cmpi slt, %while3A_18, %lt3A_21 : i32
      %and3A = arith.andi %lt3A_20, %lt3A_22 : i1
      scf.condition(%and3A) %while3A_17, %while3A_18 : i32, i32
    } do {
    ^bb0(%while3A_17: i32, %while3A_18: i32):
      %mul3A = arith.constant 256 : i32
      %mul3A_19 = arith.muli %while3A_17, %mul3A : i32
      %get3A = arith.constant 0 : index
      %get3A_20 = arith.index_cast %mul3A_19 : i32 to index
      %get3A_21 = vector.load %arg0[%get3A, %get3A_20] : memref<8x20224xf32, #tpu.memory_space<vmem>>, vector<1x256xf32>
      %dot_general3A = arith.constant dense<0.000000e+00> : vector<256x1xf32>
      %dot_general3A_22 = tpu.matmul %convert_element_type3A_4, %get3A_21, %dot_general3A {dimension_numbers = #tpu.dot_dimension_numbers<[1], [1], [0], [0], [0, 0, 1, 0], [], []>, precision = #tpu.contract_precision<fp32>, transpose_lhs_hint = false} : vector<256x256xf32>, vector<1x256xf32>, vector<256x1xf32> -> vector<256x1xf32>
      %mul3A_23 = arith.constant 256 : i32
      %mul3A_24 = arith.muli %while3A_17, %mul3A_23 : i32
      %swap3A_25 = arith.index_cast %mul3A_24 : i32 to index
      %swap3A_26 = arith.constant 0 : index
      %swap3A_27 = vector.load %arg3[%swap3A_25, %swap3A_26] : memref<20224x4xf32, #tpu.memory_space<vmem>>, vector<256x1xf32>
      tpu.vector_store %arg3[%swap3A_25, %swap3A_26], %dot_general3A_22 {strides = array<i32>} : memref<20224x4xf32, #tpu.memory_space<vmem>>, vector<256x1xf32>,
      %mul3A_28 = arith.constant 256 : i32
      %mul3A_29 = arith.muli %while3A_17, %mul3A_28 : i32
      %get3A_30 = arith.constant 1 : index
      %get3A_31 = arith.index_cast %mul3A_29 : i32 to index
      %get3A_32 = vector.load %arg0[%get3A_30, %get3A_31] : memref<8x20224xf32, #tpu.memory_space<vmem>>, vector<1x256xf32>
      %dot_general3A_33 = arith.constant dense<0.000000e+00> : vector<256x1xf32>
      %dot_general3A_34 = tpu.matmul %convert_element_type3A_4, %get3A_32, %dot_general3A_33 {dimension_numbers = #tpu.dot_dimension_numbers<[1], [1], [0], [0], [0, 0, 1, 0], [], []>, precision = #tpu.contract_precision<fp32>, transpose_lhs_hint = false} : vector<256x256xf32>, vector<1x256xf32>, vector<256x1xf32> -> vector<256x1xf32>
      %mul3A_35 = arith.constant 256 : i32
      %mul3A_36 = arith.muli %while3A_17, %mul3A_35 : i32
      %swap3A_37 = arith.index_cast %mul3A_36 : i32 to index
      %swap3A_38 = arith.constant 1 : index
      %swap3A_39 = vector.load %arg3[%swap3A_37, %swap3A_38] : memref<20224x4xf32, #tpu.memory_space<vmem>>, vector<256x1xf32>
      tpu.vector_store %arg3[%swap3A_37, %swap3A_38], %dot_general3A_34 {strides = array<i32>} : memref<20224x4xf32, #tpu.memory_space<vmem>>, vector<256x1xf32>,
      %mul3A_40 = arith.constant 256 : i32
      %mul3A_41 = arith.muli %while3A_17, %mul3A_40 : i32
      %get3A_42 = arith.constant 2 : index
      %get3A_43 = arith.index_cast %mul3A_41 : i32 to index
      %get3A_44 = vector.load %arg0[%get3A_42, %get3A_43] : memref<8x20224xf32, #tpu.memory_space<vmem>>, vector<1x256xf32>
      %dot_general3A_45 = arith.constant dense<0.000000e+00> : vector<256x1xf32>
      %dot_general3A_46 = tpu.matmul %convert_element_type3A_4, %get3A_44, %dot_general3A_45 {dimension_numbers = #tpu.dot_dimension_numbers<[1], [1], [0], [0], [0, 0, 1, 0], [], []>, precision = #tpu.contract_precision<fp32>, transpose_lhs_hint = false} : vector<256x256xf32>, vector<1x256xf32>, vector<256x1xf32> -> vector<256x1xf32>
      %mul3A_47 = arith.constant 256 : i32
      %mul3A_48 = arith.muli %while3A_17, %mul3A_47 : i32
      %swap3A_49 = arith.index_cast %mul3A_48 : i32 to index
      %swap3A_50 = arith.constant 2 : index
      %swap3A_51 = vector.load %arg3[%swap3A_49, %swap3A_50] : memref<20224x4xf32, #tpu.memory_space<vmem>>, vector<256x1xf32>
      tpu.vector_store %arg3[%swap3A_49, %swap3A_50], %dot_general3A_46 {strides = array<i32>} : memref<20224x4xf32, #tpu.memory_space<vmem>>, vector<256x1xf32>,
      %mul3A_52 = arith.constant 256 : i32
      %mul3A_53 = arith.muli %while3A_17, %mul3A_52 : i32
      %get3A_54 = arith.constant 3 : index
      %get3A_55 = arith.index_cast %mul3A_53 : i32 to index
      %get3A_56 = vector.load %arg0[%get3A_54, %get3A_55] : memref<8x20224xf32, #tpu.memory_space<vmem>>, vector<1x256xf32>
      %dot_general3A_57 = arith.constant dense<0.000000e+00> : vector<256x1xf32>
      %dot_general3A_58 = tpu.matmul %convert_element_type3A_4, %get3A_56, %dot_general3A_57 {dimension_numbers = #tpu.dot_dimension_numbers<[1], [1], [0], [0], [0, 0, 1, 0], [], []>, precision = #tpu.contract_precision<fp32>, transpose_lhs_hint = false} : vector<256x256xf32>, vector<1x256xf32>, vector<256x1xf32> -> vector<256x1xf32>
      %mul3A_59 = arith.constant 256 : i32
      %mul3A_60 = arith.muli %while3A_17, %mul3A_59 : i32
      %swap3A_61 = arith.index_cast %mul3A_60 : i32 to index
      %swap3A_62 = arith.constant 3 : index
      %swap3A_63 = vector.load %arg3[%swap3A_61, %swap3A_62] : memref<20224x4xf32, #tpu.memory_space<vmem>>, vector<256x1xf32>
      tpu.vector_store %arg3[%swap3A_61, %swap3A_62], %dot_general3A_58 {strides = array<i32>} : memref<20224x4xf32, #tpu.memory_space<vmem>>, vector<256x1xf32>,
      %broadcast_in_dim3A_64 = arith.constant 0.000000e+00 : f32
      %broadcast_in_dim3A_65 = vector.broadcast %broadcast_in_dim3A_64 : f32 to vector<1x256xf32>
      %while3A_66 = arith.constant 0 : i32
      %while3A_67 = arith.subi %while3A_17, %while3A_66 : i32
      %while3A_68 = arith.addi %while3A_66, %while3A_67 : i32
      %while3A_69 = arith.constant 1 : i32
      %while3A_70 = arith.divsi %while3A_67, %while3A_69 : i32
      %while3A_71 = arith.muli %while3A_70, %while3A_69 : i32
      %while3A_72 = arith.addi %while3A_66, %while3A_71 : i32
      %while3A_73 = arith.constant 1 : i32
      %while3A_74 = scf.for %while3A_213 = %while3A_66 to %while3A_72 step %while3A_73 iter_args(%while3A_214 = %broadcast_in_dim3A_65) -> (vector<1x256xf32>)  : i32 {
        %mul3A_215 = arith.constant 256 : i32
        %mul3A_216 = arith.muli %while3A_213, %mul3A_215 : i32
        %get3A_217 = arith.index_cast %mul3A_216 : i32 to index
        %get3A_218 = arith.constant 0 : index
        %get3A_219 = vector.load %arg3[%get3A_217, %get3A_218] : memref<20224x4xf32, #tpu.memory_space<vmem>>, vector<256x1xf32>
        %mul3A_220 = arith.constant 256 : i32
        %mul3A_221 = arith.muli %while3A_213, %mul3A_220 : i32
        %get3A_222 = arith.index_cast %mul3A_221 : i32 to index
        %get3A_223 = arith.constant 1 : index
        %get3A_224 = vector.load %arg3[%get3A_222, %get3A_223] : memref<20224x4xf32, #tpu.memory_space<vmem>>, vector<256x1xf32>
        %mul3A_225 = arith.constant 256 : i32
        %mul3A_226 = arith.muli %while3A_213, %mul3A_225 : i32
        %get3A_227 = arith.index_cast %mul3A_226 : i32 to index
        %get3A_228 = arith.constant 2 : index
        %get3A_229 = vector.load %arg3[%get3A_227, %get3A_228] : memref<20224x4xf32, #tpu.memory_space<vmem>>, vector<256x1xf32>
        %mul3A_230 = arith.constant 256 : i32
        %mul3A_231 = arith.muli %while3A_213, %mul3A_230 : i32
        %get3A_232 = arith.index_cast %mul3A_231 : i32 to index
        %get3A_233 = arith.constant 3 : index
        %get3A_234 = vector.load %arg3[%get3A_232, %get3A_233] : memref<20224x4xf32, #tpu.memory_space<vmem>>, vector<256x1xf32>
        %mul3A_235 = arith.constant 256 : i32
        %mul3A_236 = arith.muli %while3A_17, %mul3A_235 : i32
        %get3A_237 = arith.constant 0 : index
        %get3A_238 = arith.index_cast %mul3A_236 : i32 to index
        %get3A_239 = vector.load %arg0[%get3A_237, %get3A_238] : memref<8x20224xf32, #tpu.memory_space<vmem>>, vector<1x256xf32>
        %mul3A_240 = arith.constant 256 : i32
        %mul3A_241 = arith.muli %while3A_17, %mul3A_240 : i32
        %get3A_242 = arith.constant 1 : index
        %get3A_243 = arith.index_cast %mul3A_241 : i32 to index
        %get3A_244 = vector.load %arg0[%get3A_242, %get3A_243] : memref<8x20224xf32, #tpu.memory_space<vmem>>, vector<1x256xf32>
        %mul3A_245 = arith.constant 256 : i32
        %mul3A_246 = arith.muli %while3A_17, %mul3A_245 : i32
        %get3A_247 = arith.constant 2 : index
        %get3A_248 = arith.index_cast %mul3A_246 : i32 to index
        %get3A_249 = vector.load %arg0[%get3A_247, %get3A_248] : memref<8x20224xf32, #tpu.memory_space<vmem>>, vector<1x256xf32>
        %mul3A_250 = arith.constant 256 : i32
        %mul3A_251 = arith.muli %while3A_17, %mul3A_250 : i32
        %get3A_252 = arith.constant 3 : index
        %get3A_253 = arith.index_cast %mul3A_251 : i32 to index
        %get3A_254 = vector.load %arg0[%get3A_252, %get3A_253] : memref<8x20224xf32, #tpu.memory_space<vmem>>, vector<1x256xf32>
        %sub3A_255 = arith.subf %get3A_229, %get3A_219 : vector<256x1xf32>
        %sub3A_256 = arith.subf %get3A_234, %get3A_224 : vector<256x1xf32>
        %mul3A_257 = arith.mulf %sub3A_255, %sub3A_256 : vector<256x1xf32>
        %sub3A_258 = arith.subf %get3A_249, %get3A_239 : vector<1x256xf32>
        %sub3A_259 = arith.subf %get3A_254, %get3A_244 : vector<1x256xf32>
        %mul3A_260 = arith.mulf %sub3A_258, %sub3A_259 : vector<1x256xf32>
        %min3A_261 = vector.broadcast %get3A_249 : vector<1x256xf32> to vector<256x256xf32>
        %min3A_262 = vector.broadcast %get3A_229 : vector<256x1xf32> to vector<256x256xf32>
        %min3A_263 = arith.minimumf %min3A_261, %min3A_262 : vector<256x256xf32>
        %max3A_264 = vector.broadcast %get3A_239 : vector<1x256xf32> to vector<256x256xf32>
        %max3A_265 = vector.broadcast %get3A_219 : vector<256x1xf32> to vector<256x256xf32>
        %max3A_266 = arith.maximumf %max3A_264, %max3A_265 : vector<256x256xf32>
        %sub3A_267 = arith.subf %min3A_263, %max3A_266 : vector<256x256xf32>
        %max3A_268 = arith.constant 0.000000e+00 : f32
        %max3A_269 = vector.broadcast %max3A_268 : f32 to vector<256x256xf32>
        %max3A_270 = arith.maximumf %sub3A_267, %max3A_269 : vector<256x256xf32>
        %min3A_271 = vector.broadcast %get3A_254 : vector<1x256xf32> to vector<256x256xf32>
        %min3A_272 = vector.broadcast %get3A_234 : vector<256x1xf32> to vector<256x256xf32>
        %min3A_273 = arith.minimumf %min3A_271, %min3A_272 : vector<256x256xf32>
        %max3A_274 = vector.broadcast %get3A_244 : vector<1x256xf32> to vector<256x256xf32>
        %max3A_275 = vector.broadcast %get3A_224 : vector<256x1xf32> to vector<256x256xf32>
        %max3A_276 = arith.maximumf %max3A_274, %max3A_275 : vector<256x256xf32>
        %sub3A_277 = arith.subf %min3A_273, %max3A_276 : vector<256x256xf32>
        %max3A_278 = arith.constant 0.000000e+00 : f32
        %max3A_279 = vector.broadcast %max3A_278 : f32 to vector<256x256xf32>
        %max3A_280 = arith.maximumf %sub3A_277, %max3A_279 : vector<256x256xf32>
        %mul3A_281 = arith.mulf %max3A_270, %max3A_280 : vector<256x256xf32>
        %add3A_282 = vector.broadcast %mul3A_260 : vector<1x256xf32> to vector<256x256xf32>
        %add3A_283 = vector.broadcast %mul3A_257 : vector<256x1xf32> to vector<256x256xf32>
        %add3A_284 = arith.addf %add3A_282, %add3A_283 : vector<256x256xf32>
        %sub3A_285 = arith.subf %add3A_284, %mul3A_281 : vector<256x256xf32>
        %add3A_286 = arith.constant 9.99999971E-10 : f32
        %add3A_287 = vector.broadcast %add3A_286 : f32 to vector<256x256xf32>
        %add3A_288 = arith.addf %sub3A_285, %add3A_287 : vector<256x256xf32>
        %div3A_289 = arith.divf %mul3A_281, %add3A_288 : vector<256x256xf32>
        %gt3A_290 = arith.constant 5.000000e-01 : f32
        %gt3A_291 = vector.broadcast %gt3A_290 : f32 to vector<256x256xf32>
        %gt3A_292 = arith.cmpf ogt, %div3A_289, %gt3A_291 : vector<256x256xf32>
        %convert_element_type3A_293 = arith.extui %gt3A_292 : vector<256x256xi1> to vector<256x256xi32>
        %convert_element_type3A_294 = arith.sitofp %convert_element_type3A_293 : vector<256x256xi32> to vector<256x256xf32>
        %mul3A_295 = arith.constant 256 : i32
        %mul3A_296 = arith.muli %while3A_213, %mul3A_295 : i32
        %get3A_297 = arith.constant 0 : index
        %get3A_298 = arith.index_cast %mul3A_296 : i32 to index
        %get3A_299 = vector.load %arg2[%get3A_297, %get3A_298] : memref<1x20224xf32, #tpu.memory_space<vmem>>, vector<1x256xf32>
        %dot_general3A_300 = arith.constant dense<0.000000e+00> : vector<1x256xf32>
        %dot_general3A_301 = tpu.matmul %get3A_299, %convert_element_type3A_294, %dot_general3A_300 {dimension_numbers = #tpu.dot_dimension_numbers<[1], [0], [0], [1], [0, 0, 1, 1], [], []>, transpose_lhs_hint = false} : vector<1x256xf32>, vector<256x256xf32>, vector<1x256xf32> -> vector<1x256xf32>
        %max3A_302 = arith.maximumf %while3A_214, %dot_general3A_301 : vector<1x256xf32>
        scf.yield %max3A_302 : vector<1x256xf32>
      }
      %while3A_75 = arith.constant 1 : i32
      %while3A_76 = scf.for %while3A_213 = %while3A_72 to %while3A_68 step %while3A_75 iter_args(%while3A_214 = %while3A_74) -> (vector<1x256xf32>)  : i32 {
        %mul3A_215 = arith.constant 256 : i32
        %mul3A_216 = arith.muli %while3A_213, %mul3A_215 : i32
        %get3A_217 = arith.index_cast %mul3A_216 : i32 to index
        %get3A_218 = arith.constant 0 : index
        %get3A_219 = vector.load %arg3[%get3A_217, %get3A_218] : memref<20224x4xf32, #tpu.memory_space<vmem>>, vector<256x1xf32>
        %mul3A_220 = arith.constant 256 : i32
        %mul3A_221 = arith.muli %while3A_213, %mul3A_220 : i32
        %get3A_222 = arith.index_cast %mul3A_221 : i32 to index
        %get3A_223 = arith.constant 1 : index
        %get3A_224 = vector.load %arg3[%get3A_222, %get3A_223] : memref<20224x4xf32, #tpu.memory_space<vmem>>, vector<256x1xf32>
        %mul3A_225 = arith.constant 256 : i32
        %mul3A_226 = arith.muli %while3A_213, %mul3A_225 : i32
        %get3A_227 = arith.index_cast %mul3A_226 : i32 to index
        %get3A_228 = arith.constant 2 : index
        %get3A_229 = vector.load %arg3[%get3A_227, %get3A_228] : memref<20224x4xf32, #tpu.memory_space<vmem>>, vector<256x1xf32>
        %mul3A_230 = arith.constant 256 : i32
        %mul3A_231 = arith.muli %while3A_213, %mul3A_230 : i32
        %get3A_232 = arith.index_cast %mul3A_231 : i32 to index
        %get3A_233 = arith.constant 3 : index
        %get3A_234 = vector.load %arg3[%get3A_232, %get3A_233] : memref<20224x4xf32, #tpu.memory_space<vmem>>, vector<256x1xf32>
        %mul3A_235 = arith.constant 256 : i32
        %mul3A_236 = arith.muli %while3A_17, %mul3A_235 : i32
        %get3A_237 = arith.constant 0 : index
        %get3A_238 = arith.index_cast %mul3A_236 : i32 to index
        %get3A_239 = vector.load %arg0[%get3A_237, %get3A_238] : memref<8x20224xf32, #tpu.memory_space<vmem>>, vector<1x256xf32>
        %mul3A_240 = arith.constant 256 : i32
        %mul3A_241 = arith.muli %while3A_17, %mul3A_240 : i32
        %get3A_242 = arith.constant 1 : index
        %get3A_243 = arith.index_cast %mul3A_241 : i32 to index
        %get3A_244 = vector.load %arg0[%get3A_242, %get3A_243] : memref<8x20224xf32, #tpu.memory_space<vmem>>, vector<1x256xf32>
        %mul3A_245 = arith.constant 256 : i32
        %mul3A_246 = arith.muli %while3A_17, %mul3A_245 : i32
        %get3A_247 = arith.constant 2 : index
        %get3A_248 = arith.index_cast %mul3A_246 : i32 to index
        %get3A_249 = vector.load %arg0[%get3A_247, %get3A_248] : memref<8x20224xf32, #tpu.memory_space<vmem>>, vector<1x256xf32>
        %mul3A_250 = arith.constant 256 : i32
        %mul3A_251 = arith.muli %while3A_17, %mul3A_250 : i32
        %get3A_252 = arith.constant 3 : index
        %get3A_253 = arith.index_cast %mul3A_251 : i32 to index
        %get3A_254 = vector.load %arg0[%get3A_252, %get3A_253] : memref<8x20224xf32, #tpu.memory_space<vmem>>, vector<1x256xf32>
        %sub3A_255 = arith.subf %get3A_229, %get3A_219 : vector<256x1xf32>
        %sub3A_256 = arith.subf %get3A_234, %get3A_224 : vector<256x1xf32>
        %mul3A_257 = arith.mulf %sub3A_255, %sub3A_256 : vector<256x1xf32>
        %sub3A_258 = arith.subf %get3A_249, %get3A_239 : vector<1x256xf32>
        %sub3A_259 = arith.subf %get3A_254, %get3A_244 : vector<1x256xf32>
        %mul3A_260 = arith.mulf %sub3A_258, %sub3A_259 : vector<1x256xf32>
        %min3A_261 = vector.broadcast %get3A_249 : vector<1x256xf32> to vector<256x256xf32>
        %min3A_262 = vector.broadcast %get3A_229 : vector<256x1xf32> to vector<256x256xf32>
        %min3A_263 = arith.minimumf %min3A_261, %min3A_262 : vector<256x256xf32>
        %max3A_264 = vector.broadcast %get3A_239 : vector<1x256xf32> to vector<256x256xf32>
        %max3A_265 = vector.broadcast %get3A_219 : vector<256x1xf32> to vector<256x256xf32>
        %max3A_266 = arith.maximumf %max3A_264, %max3A_265 : vector<256x256xf32>
        %sub3A_267 = arith.subf %min3A_263, %max3A_266 : vector<256x256xf32>
        %max3A_268 = arith.constant 0.000000e+00 : f32
        %max3A_269 = vector.broadcast %max3A_268 : f32 to vector<256x256xf32>
        %max3A_270 = arith.maximumf %sub3A_267, %max3A_269 : vector<256x256xf32>
        %min3A_271 = vector.broadcast %get3A_254 : vector<1x256xf32> to vector<256x256xf32>
        %min3A_272 = vector.broadcast %get3A_234 : vector<256x1xf32> to vector<256x256xf32>
        %min3A_273 = arith.minimumf %min3A_271, %min3A_272 : vector<256x256xf32>
        %max3A_274 = vector.broadcast %get3A_244 : vector<1x256xf32> to vector<256x256xf32>
        %max3A_275 = vector.broadcast %get3A_224 : vector<256x1xf32> to vector<256x256xf32>
        %max3A_276 = arith.maximumf %max3A_274, %max3A_275 : vector<256x256xf32>
        %sub3A_277 = arith.subf %min3A_273, %max3A_276 : vector<256x256xf32>
        %max3A_278 = arith.constant 0.000000e+00 : f32
        %max3A_279 = vector.broadcast %max3A_278 : f32 to vector<256x256xf32>
        %max3A_280 = arith.maximumf %sub3A_277, %max3A_279 : vector<256x256xf32>
        %mul3A_281 = arith.mulf %max3A_270, %max3A_280 : vector<256x256xf32>
        %add3A_282 = vector.broadcast %mul3A_260 : vector<1x256xf32> to vector<256x256xf32>
        %add3A_283 = vector.broadcast %mul3A_257 : vector<256x1xf32> to vector<256x256xf32>
        %add3A_284 = arith.addf %add3A_282, %add3A_283 : vector<256x256xf32>
        %sub3A_285 = arith.subf %add3A_284, %mul3A_281 : vector<256x256xf32>
        %add3A_286 = arith.constant 9.99999971E-10 : f32
        %add3A_287 = vector.broadcast %add3A_286 : f32 to vector<256x256xf32>
        %add3A_288 = arith.addf %sub3A_285, %add3A_287 : vector<256x256xf32>
        %div3A_289 = arith.divf %mul3A_281, %add3A_288 : vector<256x256xf32>
        %gt3A_290 = arith.constant 5.000000e-01 : f32
        %gt3A_291 = vector.broadcast %gt3A_290 : f32 to vector<256x256xf32>
        %gt3A_292 = arith.cmpf ogt, %div3A_289, %gt3A_291 : vector<256x256xf32>
        %convert_element_type3A_293 = arith.extui %gt3A_292 : vector<256x256xi1> to vector<256x256xi32>
        %convert_element_type3A_294 = arith.sitofp %convert_element_type3A_293 : vector<256x256xi32> to vector<256x256xf32>
        %mul3A_295 = arith.constant 256 : i32
        %mul3A_296 = arith.muli %while3A_213, %mul3A_295 : i32
        %get3A_297 = arith.constant 0 : index
        %get3A_298 = arith.index_cast %mul3A_296 : i32 to index
        %get3A_299 = vector.load %arg2[%get3A_297, %get3A_298] : memref<1x20224xf32, #tpu.memory_space<vmem>>, vector<1x256xf32>
        %dot_general3A_300 = arith.constant dense<0.000000e+00> : vector<1x256xf32>
        %dot_general3A_301 = tpu.matmul %get3A_299, %convert_element_type3A_294, %dot_general3A_300 {dimension_numbers = #tpu.dot_dimension_numbers<[1], [0], [0], [1], [0, 0, 1, 1], [], []>, transpose_lhs_hint = false} : vector<1x256xf32>, vector<256x256xf32>, vector<1x256xf32> -> vector<1x256xf32>
        %max3A_302 = arith.maximumf %while3A_214, %dot_general3A_301 : vector<1x256xf32>
        scf.yield %max3A_302 : vector<1x256xf32>
      }
      %mul3A_77 = arith.constant 256 : i32
      %mul3A_78 = arith.muli %while3A_17, %mul3A_77 : i32
      %get3A_79 = arith.constant 5 : index
      %get3A_80 = arith.index_cast %mul3A_78 : i32 to index
      %get3A_81 = vector.load %arg0[%get3A_79, %get3A_80] : memref<8x20224xf32, #tpu.memory_space<vmem>>, vector<1x256xf32>
      %gt3A = arith.constant 5.000000e-01 : f32
      %gt3A_82 = vector.broadcast %gt3A : f32 to vector<1x256xf32>
      %gt3A_83 = arith.cmpf ogt, %get3A_81, %gt3A_82 : vector<1x256xf32>
      %lt3A_84 = arith.constant 5.000000e-01 : f32
      %lt3A_85 = vector.broadcast %lt3A_84 : f32 to vector<1x256xf32>
      %lt3A_86 = arith.cmpf olt, %while3A_76, %lt3A_85 : vector<1x256xf32>
      %and3A = arith.andi %gt3A_83, %lt3A_86 : vector<1x256xi1>
      %mul3A_87 = arith.constant 256 : i32
      %mul3A_88 = arith.muli %while3A_17, %mul3A_87 : i32
      %get3A_89 = arith.index_cast %mul3A_88 : i32 to index
      %get3A_90 = arith.constant 0 : index
      %get3A_91 = vector.load %arg3[%get3A_89, %get3A_90] : memref<20224x4xf32, #tpu.memory_space<vmem>>, vector<256x1xf32>
      %mul3A_92 = arith.constant 256 : i32
      %mul3A_93 = arith.muli %while3A_17, %mul3A_92 : i32
      %get3A_94 = arith.index_cast %mul3A_93 : i32 to index
      %get3A_95 = arith.constant 1 : index
      %get3A_96 = vector.load %arg3[%get3A_94, %get3A_95] : memref<20224x4xf32, #tpu.memory_space<vmem>>, vector<256x1xf32>
      %mul3A_97 = arith.constant 256 : i32
      %mul3A_98 = arith.muli %while3A_17, %mul3A_97 : i32
      %get3A_99 = arith.index_cast %mul3A_98 : i32 to index
      %get3A_100 = arith.constant 2 : index
      %get3A_101 = vector.load %arg3[%get3A_99, %get3A_100] : memref<20224x4xf32, #tpu.memory_space<vmem>>, vector<256x1xf32>
      %mul3A_102 = arith.constant 256 : i32
      %mul3A_103 = arith.muli %while3A_17, %mul3A_102 : i32
      %get3A_104 = arith.index_cast %mul3A_103 : i32 to index
      %get3A_105 = arith.constant 3 : index
      %get3A_106 = vector.load %arg3[%get3A_104, %get3A_105] : memref<20224x4xf32, #tpu.memory_space<vmem>>, vector<256x1xf32>
      %mul3A_107 = arith.constant 256 : i32
      %mul3A_108 = arith.muli %while3A_17, %mul3A_107 : i32
      %get3A_109 = arith.constant 0 : index
      %get3A_110 = arith.index_cast %mul3A_108 : i32 to index
      %get3A_111 = vector.load %arg0[%get3A_109, %get3A_110] : memref<8x20224xf32, #tpu.memory_space<vmem>>, vector<1x256xf32>
      %mul3A_112 = arith.constant 256 : i32
      %mul3A_113 = arith.muli %while3A_17, %mul3A_112 : i32
      %get3A_114 = arith.constant 1 : index
      %get3A_115 = arith.index_cast %mul3A_113 : i32 to index
      %get3A_116 = vector.load %arg0[%get3A_114, %get3A_115] : memref<8x20224xf32, #tpu.memory_space<vmem>>, vector<1x256xf32>
      %mul3A_117 = arith.constant 256 : i32
      %mul3A_118 = arith.muli %while3A_17, %mul3A_117 : i32
      %get3A_119 = arith.constant 2 : index
      %get3A_120 = arith.index_cast %mul3A_118 : i32 to index
      %get3A_121 = vector.load %arg0[%get3A_119, %get3A_120] : memref<8x20224xf32, #tpu.memory_space<vmem>>, vector<1x256xf32>
      %mul3A_122 = arith.constant 256 : i32
      %mul3A_123 = arith.muli %while3A_17, %mul3A_122 : i32
      %get3A_124 = arith.constant 3 : index
      %get3A_125 = arith.index_cast %mul3A_123 : i32 to index
      %get3A_126 = vector.load %arg0[%get3A_124, %get3A_125] : memref<8x20224xf32, #tpu.memory_space<vmem>>, vector<1x256xf32>
      %sub3A = arith.subf %get3A_101, %get3A_91 : vector<256x1xf32>
      %sub3A_127 = arith.subf %get3A_106, %get3A_96 : vector<256x1xf32>
      %mul3A_128 = arith.mulf %sub3A, %sub3A_127 : vector<256x1xf32>
      %sub3A_129 = arith.subf %get3A_121, %get3A_111 : vector<1x256xf32>
      %sub3A_130 = arith.subf %get3A_126, %get3A_116 : vector<1x256xf32>
      %mul3A_131 = arith.mulf %sub3A_129, %sub3A_130 : vector<1x256xf32>
      %min3A = vector.broadcast %get3A_121 : vector<1x256xf32> to vector<256x256xf32>
      %min3A_132 = vector.broadcast %get3A_101 : vector<256x1xf32> to vector<256x256xf32>
      %min3A_133 = arith.minimumf %min3A, %min3A_132 : vector<256x256xf32>
      %max3A = vector.broadcast %get3A_111 : vector<1x256xf32> to vector<256x256xf32>
      %max3A_134 = vector.broadcast %get3A_91 : vector<256x1xf32> to vector<256x256xf32>
      %max3A_135 = arith.maximumf %max3A, %max3A_134 : vector<256x256xf32>
      %sub3A_136 = arith.subf %min3A_133, %max3A_135 : vector<256x256xf32>
      %max3A_137 = arith.constant 0.000000e+00 : f32
      %max3A_138 = vector.broadcast %max3A_137 : f32 to vector<256x256xf32>
      %max3A_139 = arith.maximumf %sub3A_136, %max3A_138 : vector<256x256xf32>
      %min3A_140 = vector.broadcast %get3A_126 : vector<1x256xf32> to vector<256x256xf32>
      %min3A_141 = vector.broadcast %get3A_106 : vector<256x1xf32> to vector<256x256xf32>
      %min3A_142 = arith.minimumf %min3A_140, %min3A_141 : vector<256x256xf32>
      %max3A_143 = vector.broadcast %get3A_116 : vector<1x256xf32> to vector<256x256xf32>
      %max3A_144 = vector.broadcast %get3A_96 : vector<256x1xf32> to vector<256x256xf32>
      %max3A_145 = arith.maximumf %max3A_143, %max3A_144 : vector<256x256xf32>
      %sub3A_146 = arith.subf %min3A_142, %max3A_145 : vector<256x256xf32>
      %max3A_147 = arith.constant 0.000000e+00 : f32
      %max3A_148 = vector.broadcast %max3A_147 : f32 to vector<256x256xf32>
      %max3A_149 = arith.maximumf %sub3A_146, %max3A_148 : vector<256x256xf32>
      %mul3A_150 = arith.mulf %max3A_139, %max3A_149 : vector<256x256xf32>
      %add3A = vector.broadcast %mul3A_131 : vector<1x256xf32> to vector<256x256xf32>
      %add3A_151 = vector.broadcast %mul3A_128 : vector<256x1xf32> to vector<256x256xf32>
      %add3A_152 = arith.addf %add3A, %add3A_151 : vector<256x256xf32>
      %sub3A_153 = arith.subf %add3A_152, %mul3A_150 : vector<256x256xf32>
      %add3A_154 = arith.constant 9.99999971E-10 : f32
      %add3A_155 = vector.broadcast %add3A_154 : f32 to vector<256x256xf32>
      %add3A_156 = arith.addf %sub3A_153, %add3A_155 : vector<256x256xf32>
      %div3A = arith.divf %mul3A_150, %add3A_156 : vector<256x256xf32>
      %gt3A_157 = arith.constant 5.000000e-01 : f32
      %gt3A_158 = vector.broadcast %gt3A_157 : f32 to vector<256x256xf32>
      %gt3A_159 = arith.cmpf ogt, %div3A, %gt3A_158 : vector<256x256xf32>
      %convert_element_type3A_160 = arith.extui %gt3A_159 : vector<256x256xi1> to vector<256x256xi32>
      %convert_element_type3A_161 = arith.sitofp %convert_element_type3A_160 : vector<256x256xi32> to vector<256x256xf32>
      %mul3A_162 = arith.mulf %convert_element_type3A_161, %convert_element_type3A_6 : vector<256x256xf32>
      %convert_element_type3A_163 = arith.extui %and3A : vector<1x256xi1> to vector<1x256xi32>
      %convert_element_type3A_164 = arith.sitofp %convert_element_type3A_163 : vector<1x256xi32> to vector<1x256xf32>
      %while3A_165 = arith.constant true
      %while3A_166:2 = scf.while (%while3A_213 = %convert_element_type3A_164, %while3A_214 = %while3A_165) : (vector<1x256xf32>, i1) -> (vector<1x256xf32>, i1) {
        scf.condition(%while3A_214) %while3A_213, %while3A_214 : vector<1x256xf32>, i1
      } do {
      ^bb0(%while3A_213: vector<1x256xf32>, %while3A_214: i1):
        %dot_general3A_215 = arith.constant dense<0.000000e+00> : vector<1x256xf32>
        %dot_general3A_216 = tpu.matmul %while3A_213, %mul3A_162, %dot_general3A_215 {dimension_numbers = #tpu.dot_dimension_numbers<[1], [0], [0], [1], [0, 0, 1, 1], [], []>, transpose_lhs_hint = false} : vector<1x256xf32>, vector<256x256xf32>, vector<1x256xf32> -> vector<1x256xf32>
        %lt3A_217 = arith.constant 5.000000e-01 : f32
        %lt3A_218 = vector.broadcast %lt3A_217 : f32 to vector<1x256xf32>
        %lt3A_219 = arith.cmpf olt, %dot_general3A_216, %lt3A_218 : vector<1x256xf32>
        %and3A_220 = arith.andi %and3A, %lt3A_219 : vector<1x256xi1>
        %jit3A_221 = arith.constant 1.000000e+00 : f32
        %jit3A_222 = arith.constant 0.000000e+00 : f32
        %broadcast_in_dim3A_223 = vector.broadcast %jit3A_221 : f32 to vector<1x256xf32>
        %broadcast_in_dim3A_224 = vector.broadcast %jit3A_222 : f32 to vector<1x256xf32>
        %select_n3A_225 = arith.select %and3A_220, %broadcast_in_dim3A_223, %broadcast_in_dim3A_224 : vector<1x256xi1>, vector<1x256xf32>
        %ne3A = arith.cmpf one, %select_n3A_225, %while3A_213 : vector<1x256xf32>
        %reduce_or3A = arith.constant 1.000000e+00 : f32
        %reduce_or3A_226 = arith.constant 0.000000e+00 : f32
        %reduce_or3A_227 = vector.broadcast %reduce_or3A : f32 to vector<1x256xf32>
        %reduce_or3A_228 = vector.broadcast %reduce_or3A_226 : f32 to vector<1x256xf32>
        %reduce_or3A_229 = arith.select %ne3A, %reduce_or3A_227, %reduce_or3A_228 : vector<1x256xi1>, vector<1x256xf32>
        %reduce_or3A_230 = vector.shape_cast %reduce_or3A_229 : vector<1x256xf32> to vector<1x1x256xf32>
        %reduce_or3A_231 = arith.constant dense<0xFF800000> : vector<1xf32>
        %reduce_or3A_232 = vector.multi_reduction <maximumf>, %reduce_or3A_230, %reduce_or3A_231 [1, 2] : vector<1x1x256xf32> to vector<1xf32>
        %reduce_or3A_233 = vector.shape_cast %reduce_or3A_232 : vector<1xf32> to vector<1x1x1xf32>
        %reduce_or3A_234 = vector.extract %reduce_or3A_233[0, 0, 0] : f32 from vector<1x1x1xf32>
        %reduce_or3A_235 = arith.constant 0.000000e+00 : f32
        %reduce_or3A_236 = arith.cmpf ogt, %reduce_or3A_234, %reduce_or3A_235 : f32
        scf.yield %select_n3A_225, %reduce_or3A_236 : vector<1x256xf32>, i1
      }
      %mul3A_167 = arith.constant 256 : i32
      %mul3A_168 = arith.muli %while3A_17, %mul3A_167 : i32
      %swap3A_169 = arith.constant 0 : index
      %swap3A_170 = arith.index_cast %mul3A_168 : i32 to index
      %swap3A_171 = vector.load %arg2[%swap3A_169, %swap3A_170] : memref<1x20224xf32, #tpu.memory_space<vmem>>, vector<1x256xf32>
      tpu.vector_store %arg2[%swap3A_169, %swap3A_170], %while3A_166#0 {strides = array<i32>} : memref<1x20224xf32, #tpu.memory_space<vmem>>, vector<1x256xf32>,
      %dot_general3A_172 = arith.constant dense<0.000000e+00> : vector<1x256xf32>
      %dot_general3A_173 = tpu.matmul %while3A_166#0, %convert_element_type3A_8, %dot_general3A_172 {dimension_numbers = #tpu.dot_dimension_numbers<[1], [0], [0], [1], [0, 0, 1, 1], [], []>, transpose_lhs_hint = false} : vector<1x256xf32>, vector<256x256xf32>, vector<1x256xf32> -> vector<1x256xf32>
      %sub3A_174 = arith.constant 1.000000e+00 : f32
      %sub3A_175 = vector.broadcast %sub3A_174 : f32 to vector<1x256xf32>
      %sub3A_176 = arith.subf %dot_general3A_173, %sub3A_175 : vector<1x256xf32>
      %convert_element_type3A_177 = arith.sitofp %while3A_18 : i32 to f32
      %add3A_178 = vector.broadcast %convert_element_type3A_177 : f32 to vector<1x256xf32>
      %add3A_179 = arith.addf %sub3A_176, %add3A_178 : vector<1x256xf32>
      %gt3A_180 = arith.constant 5.000000e-01 : f32
      %gt3A_181 = vector.broadcast %gt3A_180 : f32 to vector<1x256xf32>
      %gt3A_182 = arith.cmpf ogt, %while3A_166#0, %gt3A_181 : vector<1x256xf32>
      %jit3A = arith.constant -1.000000e+00 : f32
      %broadcast_in_dim3A_183 = vector.broadcast %jit3A : f32 to vector<1x256xf32>
      %select_n3A = arith.select %gt3A_182, %add3A_179, %broadcast_in_dim3A_183 : vector<1x256xi1>, vector<1x256xf32>
      %dot_general3A_184 = arith.constant dense<0.000000e+00> : vector<256x1xf32>
      %dot_general3A_185 = tpu.matmul %convert_element_type3A_4, %select_n3A, %dot_general3A_184 {dimension_numbers = #tpu.dot_dimension_numbers<[1], [1], [0], [0], [0, 0, 1, 0], [], []>, precision = #tpu.contract_precision<fp32>, transpose_lhs_hint = false} : vector<256x256xf32>, vector<1x256xf32>, vector<256x1xf32> -> vector<256x1xf32>
      %convert_element_type3A_186 = arith.fptosi %dot_general3A_185 : vector<256x1xf32> to vector<256x1xi32>
      %eq3A_187 = vector.broadcast %convert_element_type3A_186 : vector<256x1xi32> to vector<256x1024xi32>
      %eq3A_188 = arith.cmpi eq, %iota3A_9, %eq3A_187 : vector<256x1024xi32>
      %convert_element_type3A_189 = arith.extui %eq3A_188 : vector<256x1024xi1> to vector<256x1024xi32>
      %convert_element_type3A_190 = arith.sitofp %convert_element_type3A_189 : vector<256x1024xi32> to vector<256x1024xf32>
      %mul3A_191 = arith.constant 256 : i32
      %mul3A_192 = arith.muli %while3A_17, %mul3A_191 : i32
      %get3A_193 = arith.constant 0 : index
      %get3A_194 = arith.index_cast %mul3A_192 : i32 to index
      %get3A_195 = vector.load %arg0[%get3A_193, %get3A_194] : memref<8x20224xf32, #tpu.memory_space<vmem>>, vector<8x256xf32>
      %get3A_196 = arith.constant 0 : index
      %get3A_197 = arith.constant 0 : index
      %get3A_198 = vector.load %arg1[%get3A_196, %get3A_197] : memref<8x1024xf32, #tpu.memory_space<vmem>>, vector<8x1024xf32>
      %dot_general3A_199 = arith.constant dense<0.000000e+00> : vector<8x1024xf32>
      %dot_general3A_200 = tpu.matmul %get3A_195, %convert_element_type3A_190, %dot_general3A_199 {dimension_numbers = #tpu.dot_dimension_numbers<[1], [0], [0], [1], [0, 0, 1, 1], [], []>, precision = #tpu.contract_precision<fp32>, transpose_lhs_hint = false} : vector<8x256xf32>, vector<256x1024xf32>, vector<8x1024xf32> -> vector<8x1024xf32>
      %add3A_201 = arith.addf %get3A_198, %dot_general3A_200 : vector<8x1024xf32>
      %swap3A_202 = arith.constant 0 : index
      %swap3A_203 = arith.constant 0 : index
      %swap3A_204 = vector.load %arg1[%swap3A_202, %swap3A_203] : memref<8x1024xf32, #tpu.memory_space<vmem>>, vector<8x1024xf32>
      tpu.vector_store %arg1[%swap3A_202, %swap3A_203], %add3A_201 {strides = array<i32>} : memref<8x1024xf32, #tpu.memory_space<vmem>>, vector<8x1024xf32>,
      %add3A_205 = arith.constant 1 : i32
      %add3A_206 = arith.addi %while3A_17, %add3A_205 : i32
      %reduce_sum3A = vector.shape_cast %while3A_166#0 : vector<1x256xf32> to vector<1x1x256xf32>
      %reduce_sum3A_207 = arith.constant dense<0.000000e+00> : vector<1xf32>
      %reduce_sum3A_208 = vector.multi_reduction <add>, %reduce_sum3A, %reduce_sum3A_207 [1, 2] : vector<1x1x256xf32> to vector<1xf32>
      %reduce_sum3A_209 = vector.shape_cast %reduce_sum3A_208 : vector<1xf32> to vector<1x1x1xf32>
      %reduce_sum3A_210 = vector.extract %reduce_sum3A_209[0, 0, 0] : f32 from vector<1x1x1xf32>
      %convert_element_type3A_211 = arith.fptosi %reduce_sum3A_210 : f32 to i32
      %add3A_212 = arith.addi %while3A_18, %convert_element_type3A_211 : i32
      scf.yield %add3A_206, %add3A_212 : i32, i32
    }
    %convert_element_type3A_12 = arith.sitofp %while3A_11#1 : i32 to f32
    %broadcast_in_dim3A_13 = vector.broadcast %convert_element_type3A_12 : f32 to vector<1x1024xf32>
    %swap3A_14 = arith.constant 7 : index
    %swap3A_15 = arith.constant 0 : index
    %swap3A_16 = vector.load %arg1[%swap3A_14, %swap3A_15] : memref<8x1024xf32, #tpu.memory_space<vmem>>, vector<1x1024xf32>
    tpu.vector_store %arg1[%swap3A_14, %swap3A_15], %broadcast_in_dim3A_13 {strides = array<i32>} : memref<8x1024xf32, #tpu.memory_space<vmem>>, vector<1x1024xf32>,
    return
  }
}

</mosaic_0001>

<sc_bundles>
// kernel: kernel.4.cloned.1.call-start
scs
__scs_entry_jumppad:
0x0: {  	(pc) =	sbr.rel $0x88, $3  }
0x1: {  	(tag) =	ssettag $0x0;
	lr =	simm.s32 $0x1  }
0x2: {  	[smem:$0x3F9F] =	sst lr;
	_ =	strace $0xD0000000  }
0x3: {  	_ = 	snop  }
0x4: {  	_ = 	snop  }
0x5: {  	_ = 	snop  }
0x6: {  	_ = 	snop  }
0x7: {  	_ = 	snop  }
__scs_overlays_trampoline_lowered:
0x8: {  	[smem:$0x3FAE] =	sst s0  }
0x9: {  	[smem:$0x3FAF] =	sst s1  }
0xa: {  	[smem:$0x3FB0] =	sst s2  }
0xb: {  	[smem:$0x3FB1] =	sst s3  }
0xc: {  	[smem:$0x3FB2] =	sst s4  }
0xd: {  	[smem:$0x3FB3] =	sst s5  }
0xe: {  	[smem:$0x3FB4] =	sst s6  }
0xf: {  	[smem:$0x3FB5] =	sst s7  }
0x10: {  	[smem:$0x3FB6] =	sst s8  }
0x11: {  	[smem:$0x3FB7] =	sst s9;
	s0 =	simm.s32 @!p0 $0x0  }
0x12: {  	s1 =	sld [smem:$0x3F9D];
	s0 =	simm.s32 @p0 $0x1  }
0x13: {  	[smem:$0x3FB8] =	sst s0;
	s0 =	simm.s32 @!p1 $0x0  }
0x14: {  	s2 =	sld [smem:$0x3F9C];
	s0 =	simm.s32 @p1 $0x1  }
0x15: {  	[smem:$0x3FB9] =	sst s0;
	s0 =	simm.s32 @!p2 $0x0  }
0x16: {  	s3 =	sld [smem:$0x3FDB];
	s0 =	simm.s32 @p2 $0x1  }
0x17: {  	s4 =	simm.s32 $0x1BF5;
	[smem:$0x3FBB] =	sst s0  }
0x18: {  	s0 =	sld [smem:$0x3F9E];
	_ =	swait.ge [sflag:s4], $0x0  }
0x19: {  	s7 =	sld [smem:$0x3F9F]  }
0x1a: {  	s8 =	sadd.s32 $0xFFFFE003, lr  }
0x1b: {  	s9 =	sadd.s32 $0xFFFFFEF7, lr;
	s5 =	simm.s32 $0xFFFFFFFF;
	p2 =	slt.u32 s8, $0xFFFFF086  }
0x1c: {  	p1 =	slt.u32 s9, $0xF7A;
	s5 =	simm.s32 @!p2 $0x0  }
0x1d: {  	s5 =	simm.s32 @p1 $0x1;
	p0 =	seq.s32 s7, s2  }
0x1e: {  	s7 =	smul.u32 @!p0 $0xF7A, s2;
	p2 =	seq.s32 @!p0 s5, $0x0  }
0x1f: {  	s9 =	smul.u32 $0xF7A, s1;
	s8 =	simm.s32 @!p0 $0x1BF5;
	p2 =	por !p2, p0  }
0x20: {  	[sflag:s8] =	ssyncset.s32 @!p0 $0xFFFFF086;
	s6 =	sadd.s32 @!p0 s3, s7;
	s7 =	simm.s32 @!p0 $0x108  }
0x21: {  	s3 =	sadd.s32 s3, s9;
	s6 =	sadd.s32 @!p0 $0x88, s6;
	s7 =	simm.s32 @p2 $0x1082  }
0x22: {  	[simem:s7], [sflag:s8] =	dma.local @!p0 [hbm:s6], $0xF7A  }
0x23: {  	s9 =	sor.u32 $0xD0000000, s2;
	s6 =	simm.s32 $0x108;
	_ =	swait.ge @!p0 [sflag:s8], $0x0  }
0x24: {  	s3 =	sadd.s32 $0x88, s3;
	s6 =	simm.s32 @!p1 $0x1082;
	[sflag:s4] =	ssyncset.s32 $0xFFFFF086  }
0x25: {  	[simem:s6], [sflag:s4] =	dma.local [hbm:s3], $0xF7A  }
0x26: {  	[smem:$0x3F9F] =	sst s1;
	(tag) =	ssettag s2;
	_ =	strace s9  }
0x27: {  	s1 =	sld [smem:$0x3FAF]  }
0x28: {  	s2 =	sld [smem:$0x3FB0]  }
0x29: {  	s4 =	sld [smem:$0x3FB2]  }
0x2a: {  	p0 =	seq.s32 s5, $0x0;
	s5 =	sld [smem:$0x3FB3]  }
0x2b: {  	s6 =	sld [smem:$0x3FB4]  }
0x2c: {  	s7 =	sld [smem:$0x3FB5]  }
0x2d: {  	s3 =	simm.s32 $0x108;
	s8 =	sld [smem:$0x3FB6]  }
0x2e: {  	s3 =	simm.s32 @!p0 $0x1082;
	s9 =	sld [smem:$0x3FB7]  }
0x2f: {  	lr =	sadd.s32 s0, s3;
	s0 =	sld [smem:$0x3FAE]  }
0x30: {  	s3 =	sld [smem:$0x3FB1]  }
0x31: {  	[smem:$0x3FBA] =	sst s10  }
0x32: {  	s10 =	sld [smem:$0x3FB8];
	_ =	sdelay $0x3  }
0x33: {  	p0 =	seq.s32 s10, $0x1;
	s10 =	sld [smem:$0x3FBA];
	_ =	sdelay $0x3  }
0x34: {  	[smem:$0x3FBA] =	sst s10  }
0x35: {  	s10 =	sld [smem:$0x3FB9];
	_ =	sdelay $0x3  }
0x36: {  	p1 =	seq.s32 s10, $0x1;
	s10 =	sld [smem:$0x3FBA];
	_ =	sdelay $0x3  }
0x37: {  	[smem:$0x3FBA] =	sst s10  }
0x38: {  	s10 =	sld [smem:$0x3FBB]  }
0x39: {  	_ = 	snop;
	(pc) =	sbr.ind lr, $3  }
0x3a: {  	_ = 	snop  }
0x3b: {  	_ = 	snop  }
0x3c: {  	p2 =	seq.s32 s10, $0x1;
	s10 =	sld [smem:$0x3FBA]  }
0x3d: {  	_ =	shalt  }
0x3e: {  	_ =	shalt  }
0x3f: {  	_ =	shalt  }
0x40: {  	_ =	shalt  }
0x41: {  	_ =	shalt  }
0x42: {  	_ =	shalt  }
0x43: {  	_ =	shalt  }
0x44: {  	_ =	shalt  }
0x45: {  	_ =	shalt  }
0x46: {  	_ =	shalt  }
0x47: {  	_ =	shalt  }
0x48: {  	_ =	shalt  }
0x49: {  	_ =	shalt  }
0x4a: {  	_ =	shalt  }
0x4b: {  	_ =	shalt  }
0x4c: {  	_ =	shalt  }
0x4d: {  	_ =	shalt  }
0x4e: {  	_ =	shalt  }
0x4f: {  	_ =	shalt  }
0x50: {  	_ =	shalt  }
0x51: {  	_ =	shalt  }
0x52: {  	_ =	shalt  }
0x53: {  	_ =	shalt  }
0x54: {  	_ =	shalt  }
0x55: {  	_ =	shalt  }
0x56: {  	_ =	shalt  }
0x57: {  	_ =	shalt  }
0x58: {  	_ =	shalt  }
0x59: {  	_ =	shalt  }
0x5a: {  	_ =	shalt  }
0x5b: {  	_ =	shalt  }
0x5c: {  	_ =	shalt  }
0x5d: {  	_ =	shalt  }
0x5e: {  	_ =	shalt  }
0x5f: {  	_ =	shalt  }
0x60: {  	_ =	shalt  }
0x61: {  	_ =	shalt  }
0x62: {  	_ =	shalt  }
0x63: {  	_ =	shalt  }
0x64: {  	_ =	shalt  }
0x65: {  	_ =	shalt  }
0x66: {  	_ =	shalt  }
0x67: {  	_ =	shalt  }
0x68: {  	_ =	shalt  }
0x69: {  	_ =	shalt  }
0x6a: {  	_ =	shalt  }
0x6b: {  	_ =	shalt  }
0x6c: {  	_ =	shalt  }
0x6d: {  	_ =	shalt  }
0x6e: {  	_ =	shalt  }
0x6f: {  	_ =	shalt  }
0x70: {  	_ =	shalt  }
0x71: {  	_ =	shalt  }
0x72: {  	_ =	shalt  }
0x73: {  	_ =	shalt  }
0x74: {  	_ =	shalt  }
0x75: {  	_ =	shalt  }
0x76: {  	_ =	shalt  }
0x77: {  	_ =	shalt  }
0x78: {  	_ =	shalt  }
0x79: {  	_ =	shalt  }
0x7a: {  	_ =	shalt  }
0x7b: {  	_ =	shalt  }
0x7c: {  	_ =	shalt  }
0x7d: {  	_ =	shalt  }
0x7e: {  	_ =	shalt  }
0x7f: {  	_ =	shalt  }
0x80: {  	_ =	shalt  }
0x81: {  	_ =	shalt  }
0x82: {  	_ =	shalt  }
0x83: {  	_ =	shalt  }
0x84: {  	_ =	shalt  }
0x85: {  	_ =	shalt  }
0x86: {  	_ =	shalt  }
0x87: {  	_ =	shalt  }
.Lfunc_end0:
.L_simem_size_0:
called_computation_lowered:
.L_overlay_start_0:
0x88: {  	s2 =	sld [smem:$0x3FD9]  }
0x89: {  	s3 =	sld [smem:$0x3FFE];
	_ =	sdelay $0x1  }
0x8a: {  	s1 =	srdreg.scid  }
0x8b: {  	s0 =	sand.u32 $0x1, s1  }
0x8c: {  	s17 =	sshll.u32 s0, $0xA;
	s2 =	sadd.s32 s3, s2  }
0x8d: {  	s2 =	sadd.s32 s2, s17  }
0x8e: {  	[smem:$0x3FC6] =	sst s2  }
0x8f: {  	_ = 	snop  }
0x90: {  	s2 =	sld [smem:$0x3FD0];
	(tm) =	ssettm $0x1  }
0x91: {  	s18 =	sld [smem:$0x3FFB];
	_ =	sdelay $0x3  }
0x92: {  	_ =	strace s18  }
0x93: {  	s3 =	sld [smem:$0x3FFC];
	_ =	sdelay $0x3  }
0x94: {  	_ =	strace s3  }
0x95: {  	s3 =	sld [smem:$0x3FFD];
	_ =	sdelay $0x3  }
0x96: {  	_ =	strace s3  }
0x97: {  	_ =	strace $0x8FFFFFFF  }
0x98: {  	s19 =	sld [smem:$0x3FDB];
	_ =	sdelay $0x1  }
0x99: {  	s4 =	simm.s32 $_scs_section_size  }
0x9a: {  	s5 =	simm.s32 $_size__tile_overlayer_lowered;
	s6 =	simm.s32 $_tile_overlayer_lowered  }
0x9b: {  	s22 =	simm.s32 $0x1BFF;
	s21 =	sshll.u32 s6, $0x1;
	s3 =	sadd.s32 s4, s19  }
0x9c: {  	s7 =	simm.s32 $0x0;
	s20 =	sshll.u32 s5, $0x1;
	s5 =	sadd.s32 s21, s3  }
0x9d: {  	[timem:s7], [sflag:s22] =	dma.local [hbm:s5], s20  }
0x9e: {  	_ =	swait.ge [sflag:s22], s20  }
0x9f: {  	s4 =	ssub.s32 $0x0, s20;
	[sflag:s22] =	ssyncset.done $0x0  }
0xa0: {  	[sflag:s22] =	ssyncadd.s32 s4;
	_ =	sdelay $0x1  }
0xa1: {  	s23 =	simm.s32 $0x1B8B  }
0xa2: {  	_ =	swait.ge [sflag:s23], $0x1  }
0xa3: {  	[sflag:s23] =	ssyncset.done $0x0  }
0xa4: {  	s25 =	simm.s32 $0x1B8E;
	s24 =	sld [smem:$0x3FFE];
	[sflag:s23] =	ssyncadd.s32 $0xFFFFFFFF  }
0xa5: {  	s26 =	simm.s32 $execute0_lowered;
	[smem:$0x3FD2] =	sst s25  }
0xa6: {  	s5 =	sshll.u32 s26, $0x1;
	_ =	strace $0x80000046;
	[dreg:$0x1] =	wrdreg $0xFFFFFFFF  }
0xa7: {  	s28 =	simm.s32 $_size_execute0_lowered;
	s3 =	sadd.s32 s3, s5;
	[dreg:$0x0] =	wrdreg $0x0  }
0xa8: {  	s5 =	sshll.u32 s28, $0x1;
	[dreg:$0x2] =	wrdreg s3  }
0xa9: {  	[dreg:$0x3] =	wrdreg s5  }
0xaa: {  	[dreg:$0x4] =	wrdreg $0xC0  }
0xab: {  	_ =	task [dreg:s7], $0x5FFFF  }
0xac: {  	[dreg:$0x1] =	wrdreg $0xFFFFFFFF  }
0xad: {  	[dreg:$0x0] =	wrdreg $0x60  }
0xae: {  	[dreg:$0x2] =	wrdreg s24  }
0xaf: {  	[dreg:$0x3] =	wrdreg s2  }
0xb0: {  	[dreg:$0x4] =	wrdreg $0x9  }
0xb1: {  	_ =	task.clear_ibuf [dreg:s7], $0x5FFFF;
	_ =	strace $0x90000046  }
0xb2: {  	s29 =	simm.s32 $0x9;
	_ =	strace $0x80000048  }
0xb3: {  	_ =	swait.ge [sflag:s29], $0x1  }
0xb4: {  	[sflag:s29] =	ssyncadd.s32 $0xFFFFFFFF  }
0xb5: {  	_ =	strace $0x90000048  }
0xb6: {  	_ =	sfence  }
0xb7: {  	s30 =	sld [smem:$0x0];
	_ =	sdelay $0x2  }
0xb8: {  	s31 =	sshll.u32 s1, $0xD;
	s1 =	sshrl.u32 s1, $0x2  }
0xb9: {  	s3 =	sand.u32 $0x4000, s31;
	s1 =	sadd.s32 s1, s30  }
0xba: {  	s0 =	sor.u32 s3, s0;
	s1 =	sshll.u32 s1, $0x11  }
0xbb: {  	s0 =	sor.u32 s1, s0  }
0xbc: {  	s0 =	sadd.s32 $0x8F2B, s0  }
0xbd: {  	[sflag:s0] =	ssyncadd.remote.s32 $0x1  }
0xbe: {  	_ =	sfence.sel $0xFFFF  }
0xbf: {  	[dreg:$0x0] =	wrdreg $0xFFFFFFFF;
	(pc) =	sbr.abs _section_cstart, $3  }
0xc0: {  	[dreg:$0x1] =	wrdreg $0xFFFFFFFF  }
0xc1: {  	_ =	task.clear_ibuf [dreg:s7], $0x2FFFF;
	_ =	strace $0x9FFFFFFF  }
0xc2: {  	(tm) =	ssettm $0x7FFFFFFF  }
0xc3: {  	_ =	shalt  }
tec
execute0_lowered:
.L_overlay_start_1:
0x0: {  	(tag) =	ssettag $0x1  }
0x1: {  	s1 =	srdreg.scid;
	s2 =	rddreg [dreg:$0x0]  }
0x2: {  	s0 =	stileid.u32;
	s4 =	rddreg [dreg:$0x1];
	s6 =	sand.u32 $0x1, s1  }
0x3: {  	s3 =	simm.s32 $0x0;
	s5 =	sshll.u32 s0, $0x7;
	s7 =	sshll.u32 s6, $0x6  }
0x4: {  	[smem:$0x7FF] =	sst s3;
	s9 =	sor.u32 s7, s5  }
0x5: {  	s1 =	rddreg [dreg:$0x2];
	_ =	strace $0x80000047;
	s5 =	sshrl.u32 s9, $0x3  }
0x6: {  	s10 =	ssub.s32 $0x2, s6;
	s5 =	sadd.s32 s4, s5;
	s4 =	simm.s32 $0x2  }
0x7: {  	[tilespmem:s3], [sflag:$0x2] =	stream.linear.gather [hbm4b:s5+s3], $0x40, $0x38;
	[tilespmem:$0x2080] =	vst v63  }
0x8: {  	s8 =	simm.s32 $0x1;
	s11 =	sshrl.u32 s10, $0x1;
	_ =	swait.ge [sflag:s4], $0x40  }
0x9: {  	s6 =	simm.s32 $0x40;
	s10 =	ssub.s32 s10, s11;
	[sflag:s4] =	ssyncset.done $0x0  }
0xa: {  	s7 =	simm.s32 $0x80;
	s10 =	smax.u32 s10, $0x1;
	[sflag:s4] =	ssyncadd.s32 $0xFFFFFFC0  }
0xb: {  	[tilespmem:s7], [sflag:$0x1] =	stream.indirect.gather [hbm4b:s2+s6], $0x80, s3, s6, $0xb8;
	[tilespmem:$0x2080] =	vst v63  }
0xc: {  	s9 =	sshll.u32 s9, $0x4;
	p0 =	sne.s32 s10, $0x1;
	_ =	swait.ge [sflag:s8], $0x2000  }
.Ltmp0:
0xd: {  	s9 =	sadd.s32 s9, s2;
	[sflag:s8] =	ssyncset.done $0x0;
	(pc) =	sbr.rel @!p0 .LBB2_2-.Ltmp0, $4  }
0xe: {  	s9 =	sadd.s32 $0x4E200, s9;
	[sflag:s8] =	ssyncadd.s32 $0xFFFFE000  }
0xf: {  	[hbm4b:s9+s3] =	stream.linear.scatter [tilespmem:s7], [sflag:$0x2], $0x2000, $0x38;
	[tilespmem:$0x2080] =	vst v63  }
0x10: {  	_ =	swait.ge [sflag:s4], $0x2000  }
0x11: {  	s10 =	sadd.s32 $0xFFFFFFFF, s10;
	[sflag:s4] =	ssyncset.done $0x0  }
.LBB2_1:
0x12: {  	p0 =	sne.s32 s10, $0x1;
	s10 =	sadd.s32 $0xFFFFFFFF, s10;
	[sflag:s4] =	ssyncadd.s32 $0xFFFFE000  }
0x13: {  	[tilespmem:s3], [sflag:$0x2] =	stream.linear.gather [hbm4b:s5+s3], $0x40, $0x38;
	[tilespmem:$0x2080] =	vst v63  }
0x14: {  	_ =	swait.ge [sflag:s4], $0x40  }
0x15: {  	[sflag:s4] =	ssyncset.done $0x0  }
0x16: {  	[sflag:s4] =	ssyncadd.s32 $0xFFFFFFC0  }
0x17: {  	[tilespmem:s7], [sflag:$0x1] =	stream.indirect.gather [hbm4b:s2+s6], $0x80, s3, s6, $0xb8;
	[tilespmem:$0x2080] =	vst v63  }
0x18: {  	_ =	swait.ge [sflag:s8], $0x2000  }
.Ltmp1:
0x19: {  	[sflag:s8] =	ssyncset.done $0x0;
	(pc) =	sbr.rel @p0 .LBB2_1-.Ltmp1, $4  }
0x1a: {  	[sflag:s8] =	ssyncadd.s32 $0xFFFFE000  }
0x1b: {  	[hbm4b:s9+s3] =	stream.linear.scatter [tilespmem:s7], [sflag:$0x2], $0x2000, $0x38;
	[tilespmem:$0x2080] =	vst v63  }
0x1c: {  	_ =	swait.ge [sflag:s4], $0x2000  }
0x1d: {  	[sflag:s4] =	ssyncset.done $0x0  }
.LBB2_2:
0x1e: {  	[sflag:s4] =	ssyncadd.s32 $0xFFFFE000  }
0x1f: {  	_ =	sfence.sel $0x180000  }
0x20: {  	[bflag:$0x0] =	sbarrier.arrive $0xFFFF  }
0x21: {  	p0 =	sne.s32 s0, $0x0;
	_ =	strace $0x90000047  }
0x22: {  	s0 =	sadd.s32 @!p0 $0x100000, s1;
	[bflag:$0x2] =	sbarrier.arrive $0xFFFF  }
0x23: {  	[sflag:s0] =	ssyncadd.tile.s32 @!p0 $0x1;
	_ =	shalt  }
.Lfunc_end2:
_tile_overlayer_lowered:
.L_overlay_start_2:
0x24: {  	(tag) =	ssettag $0x2  }
0x25: {  	s0 =	rddreg [dreg:$0x0];
	s2 =	stileid.u32  }
0x26: {  	s1 =	rddreg [dreg:$0x1];
	p0 =	sne.s32 s2, $0x0  }
0x27: {  	s3 =	rddreg [dreg:$0x2];
	[bflag:$0x3] =	sbarrier.arrive $0xFFFF;
	s2 =	simm.s32 @!p0 $0x1C02  }
0x28: {  	[timem:s3], [sflag:s2] =	dma.local @!p0 [hbm:s0], s1  }
0x29: {  	s0 =	simm.s32 @!p0 $0x2  }
0x2a: {  	_ =	swait.ge @!p0 [sflag:s0], s1  }
0x2b: {  	s1 =	ssub.s32 @!p0 $0x0, s1;
	[sflag:s0] =	ssyncset.done @!p0 $0x0  }
0x2c: {  	[sflag:s0] =	ssyncadd.s32 @!p0 s1  }
0x2d: {  	[bflag:$0x3] =	sbarrier.arrive $0xFFFF  }
0x2e: {  	_ =	shalt  }

</sc_bundles>
